<compile_context>
chip_gen: v7x
topology: tpu7x:2x2x1
jax: 0.10.2.dev20260603
libtpu: 0.0.44.dev20260713+nightly
codegen_flags: <defaults>
</compile_context>

<pallas_src>
import functools

import jax
import jax.numpy as jnp
from jax import lax
from jax.experimental import pallas as pl
from jax.experimental.pallas import tpu as pltpu
from jax.experimental.pallas import tpu_sc as plsc

N = 10000
D = 128
HALF = 64
E = 320000
CHUNK = 128
K0_CHUNKS = 79
E_PAD = 32 * K0_CHUNKS * CHUNK
K2_CHUNKS = 158
E_PAD2 = 16 * K2_CHUNKS * CHUNK
DUMMY = N
N_ACC = 10112
ACC_SLC = N_ACC // 16
RBLK = 1000


def _mesh():
    return plsc.VectorSubcoreMesh(core_axis_name="c", subcore_axis_name="s",
                                  num_cores=2, num_subcores=16)


def _zero_rows(ref, nrows, ncols16):
    zero = jnp.zeros((16,), jnp.float32)

    def body(t, _):
        i = t // ncols16
        k = t % ncols16
        ref[i, pl.ds(k * 16, 16)] = zero
        return 0

    lax.fori_loop(0, nrows * ncols16, body, 0)


def _copy_zero_slice(zsrc, shared, base, nrows):
    full, rem = nrows // CHUNK, nrows % CHUNK
    for k in range(full):
        pltpu.sync_copy(zsrc, shared.at[pl.ds(base + k * CHUNK, CHUNK)])
    if rem:
        pltpu.sync_copy(zsrc.at[pl.ds(0, rem)],
                        shared.at[pl.ds(base + full * CHUNK, rem)])


def _deg_body(dst_hbm, deg_out, dst_v, ones_v, deg_sh):
    c = lax.axis_index("c")
    s = lax.axis_index("s")
    tid = c * 16 + s
    pltpu.sync_copy(dst_hbm.at[tid], dst_v)

    _zero_rows(ones_v, CHUNK, 1)
    _copy_zero_slice(ones_v, deg_sh, ACC_SLC * s, ACC_SLC)

    one = jnp.full((16,), 1.0, jnp.float32)

    def fill(i, _):
        ones_v[i, :] = one
        return 0

    lax.fori_loop(0, CHUNK, fill, 0)
    plsc.subcore_barrier()

    def body(j, _):
        pltpu.sync_copy(ones_v, deg_sh.at[dst_v.at[j]], add=True)
        return 0

    lax.fori_loop(0, K0_CHUNKS, body, 0)
    plsc.subcore_barrier()
    pltpu.sync_copy(deg_sh.at[pl.ds(ACC_SLC * s, ACC_SLC)],
                    deg_out.at[c, pl.ds(ACC_SLC * s, ACC_SLC)])


def _gather_scatter_body(hs_hbm, src_hbm, dst_hbm, acc_out,
                           src_v, dst_v, rows0, rows1, acc_sh, sem0, sem1):
    rows = (rows0, rows1)
    sems = (sem0, sem1)
    c = lax.axis_index("c")
    s = lax.axis_index("s")
    hs_tbl = hs_hbm.at[c]

    pltpu.sync_copy(src_hbm.at[2 * s], src_v.at[pl.ds(0, K0_CHUNKS)])
    pltpu.sync_copy(src_hbm.at[2 * s + 1], src_v.at[pl.ds(K0_CHUNKS, K0_CHUNKS)])
    pltpu.sync_copy(dst_hbm.at[2 * s], dst_v.at[pl.ds(0, K0_CHUNKS)])
    pltpu.sync_copy(dst_hbm.at[2 * s + 1], dst_v.at[pl.ds(K0_CHUNKS, K0_CHUNKS)])

    _zero_rows(rows0, CHUNK, HALF // 16)
    _copy_zero_slice(rows0, acc_sh, ACC_SLC * s, ACC_SLC)
    plsc.subcore_barrier()

    pltpu.async_copy(hs_tbl.at[src_v.at[0]], rows[0], sems[0])

    def step(i, _):
        for b in range(2):
            j = 2 * i + b
            nxt = 1 - b

            @pl.when(j + 1 < K2_CHUNKS)
            def _():
                pltpu.async_copy(hs_tbl.at[src_v.at[j + 1]], rows[nxt],
                                 sems[nxt])

            pltpu.make_async_copy(hs_tbl.at[src_v.at[j]], rows[b],
                                  sems[b]).wait()
            pltpu.sync_copy(rows[b], acc_sh.at[dst_v.at[j]], add=True)
        return 0

    lax.fori_loop(0, K2_CHUNKS // 2, step, 0)
    plsc.subcore_barrier()
    pltpu.sync_copy(acc_sh.at[pl.ds(ACC_SLC * s, ACC_SLC)],
                    acc_out.at[c, pl.ds(ACC_SLC * s, ACC_SLC)])


@functools.cache
def _sc_kernels():
    deg_k = pl.kernel(
        _deg_body,
        out_type=jax.ShapeDtypeStruct((2, N_ACC, 16), jnp.float32),
        mesh=_mesh(),
        scratch_types=[
            pltpu.VMEM((K0_CHUNKS, CHUNK), jnp.int32),
            pltpu.VMEM((CHUNK, 16), jnp.float32),
            pltpu.VMEM_SHARED((N_ACC, 16), jnp.float32),
        ],
    )
    gs_k = pl.kernel(
        _gather_scatter_body,
        out_type=jax.ShapeDtypeStruct((2, N_ACC, HALF), jnp.float32),
        mesh=_mesh(),
        scratch_types=[
            pltpu.VMEM((K2_CHUNKS, CHUNK), jnp.int32),
            pltpu.VMEM((K2_CHUNKS, CHUNK), jnp.int32),
            pltpu.VMEM((CHUNK, HALF), jnp.float32),
            pltpu.VMEM((CHUNK, HALF), jnp.float32),
            pltpu.VMEM_SHARED((N_ACC, HALF), jnp.float32),
            pltpu.SemaphoreType.DMA,
            pltpu.SemaphoreType.DMA,
        ],
        compiler_params=pltpu.CompilerParams(use_tc_tiling_on_sc=False),
    )
    return deg_k, gs_k


def _dinv_from(deg_ref):
    deg = deg_ref[0, :, 0:1] + deg_ref[1, :, 0:1] + 1.0
    return lax.rsqrt(deg)


def _layer1_body(deg_ref, x_ref, w_ref, hs_ref):
    dinv = _dinv_from(deg_ref)
    h = jnp.dot(x_ref[...], w_ref[...], preferred_element_type=jnp.float32)
    hs = h * dinv
    hs_ref[0] = hs[:, :HALF]
    hs_ref[1] = hs[:, HALF:]


def _layer2_body(deg_ref, acc_ref, hs1_ref, b1_ref, w_ref, hs2_ref):
    dinv = _dinv_from(deg_ref)
    z0 = dinv * (acc_ref[0] + hs1_ref[0])
    z1 = dinv * (acc_ref[1] + hs1_ref[1])
    z = jnp.concatenate([z0, z1], axis=1) + b1_ref[...]
    z = jnp.maximum(z, 0.0)
    h2 = jnp.dot(z, w_ref[...], preferred_element_type=jnp.float32)
    hs2 = h2 * dinv
    hs2_ref[0] = hs2[:, :HALF]
    hs2_ref[1] = hs2[:, HALF:]


def _final_body(deg_ref, acc_ref, hs2_ref, b2_ref, out_ref):
    dinv = _dinv_from(deg_ref)
    o0 = dinv * (acc_ref[0] + hs2_ref[0])
    o1 = dinv * (acc_ref[1] + hs2_ref[1])
    out_ref[...] = jnp.concatenate([o0, o1], axis=1) + b2_ref[...]


_DEG_SPEC = pl.BlockSpec((2, RBLK, 16), lambda i: (0, i, 0))
_SPLIT_SPEC = pl.BlockSpec((2, RBLK, HALF), lambda i: (0, i, 0))
_FULL_SPEC = pl.BlockSpec((RBLK, D), lambda i: (i, 0))
_W_SPEC = pl.BlockSpec((D, D), lambda i: (0, 0))
_B_SPEC = pl.BlockSpec((1, D), lambda i: (0, 0))

_layer1 = pl.pallas_call(
    _layer1_body,
    grid=(N // RBLK,),
    in_specs=[_DEG_SPEC, _FULL_SPEC, _W_SPEC],
    out_specs=_SPLIT_SPEC,
    out_shape=jax.ShapeDtypeStruct((2, N_ACC, HALF), jnp.float32),
)

_layer2 = pl.pallas_call(
    _layer2_body,
    grid=(N // RBLK,),
    in_specs=[_DEG_SPEC, _SPLIT_SPEC, _SPLIT_SPEC, _B_SPEC, _W_SPEC],
    out_specs=_SPLIT_SPEC,
    out_shape=jax.ShapeDtypeStruct((2, N_ACC, HALF), jnp.float32),
)

_final = pl.pallas_call(
    _final_body,
    grid=(N // RBLK,),
    in_specs=[_DEG_SPEC, _SPLIT_SPEC, _SPLIT_SPEC, _B_SPEC],
    out_specs=_FULL_SPEC,
    out_shape=jax.ShapeDtypeStruct((N, D), jnp.float32),
)


@jax.jit
def _kernel_impl(x, edge_index, W1, b1, W2, b2):
    deg_kernel, gather_scatter_kernel = _sc_kernels()
    src = edge_index[0].astype(jnp.int32)
    dst = edge_index[1].astype(jnp.int32)
    dst_deg = jnp.concatenate(
        [dst, jnp.full((E_PAD - E,), DUMMY, jnp.int32)]).reshape(
            32, K0_CHUNKS, CHUNK)
    src_gs = jnp.concatenate(
        [src, jnp.zeros((E_PAD2 - E,), jnp.int32)]).reshape(
            32, K0_CHUNKS, CHUNK)
    dst_gs = jnp.concatenate(
        [dst, jnp.full((E_PAD2 - E,), DUMMY, jnp.int32)]).reshape(
            32, K0_CHUNKS, CHUNK)

    deg = deg_kernel(dst_deg)
    hs1 = _layer1(deg, x, W1)
    acc1 = gather_scatter_kernel(hs1, src_gs, dst_gs)
    hs2 = _layer2(deg, acc1, hs1, b1.reshape(1, D), W2)
    acc2 = gather_scatter_kernel(hs2, src_gs, dst_gs)
    return _final(deg, acc2, hs2, b2.reshape(1, D))


def kernel(x, edge_index, W1, b1, W2, b2):
    return _kernel_impl(x, edge_index, W1, b1, W2, b2)

# --- scband reference (transcript-rebuilt; emitter-appended) ---
"""Pipeline reference for scband-gcn-64750926954705 (READ-ONLY COPY).

The authoritative reference and input builder live on the scoring server;
editing this copy changes nothing except your own understanding.
"""

import jax, jax.numpy as jnp
import numpy as np

NUM_NODES = 10000
NUM_EDGES = 320000
D_IN = 128
D_HID = 128
D_OUT = 128


def setup_inputs(seed: int = 0) -> dict:
    key = jax.random.key(seed)
    k1, k2, k3, k4, k5, k6 = jax.random.split(key, 6)
    x = jax.random.normal(k1, (NUM_NODES, D_IN), dtype=jnp.float32)
    edge_index = jax.random.randint(k2, (2, NUM_EDGES), 0, NUM_NODES, dtype=jnp.int64)
    # Glorot-style init for GCNConv weights, zeros for bias (matches PyG defaults)
    s1 = float(np.sqrt(6.0 / (D_IN + D_HID)))
    s2 = float(np.sqrt(6.0 / (D_HID + D_OUT)))
    W1 = jax.random.uniform(k3, (D_IN, D_HID), minval=-s1, maxval=s1, dtype=jnp.float32)
    b1 = jnp.zeros((D_HID,), dtype=jnp.float32)
    W2 = jax.random.uniform(k4, (D_HID, D_OUT), minval=-s2, maxval=s2, dtype=jnp.float32)
    b2 = jnp.zeros((D_OUT,), dtype=jnp.float32)
    return {"x": x, "edge_index": edge_index, "W1": W1, "b1": b1, "W2": W2, "b2": b2}


def gcn_conv(x, src, dst, norm, W, b, num_nodes):
    # x' = D^{-1/2} (A + I) D^{-1/2} X W + b  (self-loops already in src/dst)
    h = x @ W
    msg = h[src] * norm[:, None]
    out = jnp.zeros((num_nodes, W.shape[1]), dtype=h.dtype).at[dst].add(msg)
    return out + b


def reference(x, edge_index, W1, b1, W2, b2):
    num_nodes = x.shape[0]
    src = edge_index[0]
    dst = edge_index[1]
    # add self-loops (PyG GCNConv default add_self_loops=True)
    loop = jnp.arange(num_nodes, dtype=src.dtype)
    src = jnp.concatenate([src, loop])
    dst = jnp.concatenate([dst, loop])
    # symmetric normalization based on in-degree (incl. self-loops)
    deg = jnp.zeros((num_nodes,), dtype=jnp.float32).at[dst].add(1.0)
    dinv = jax.lax.rsqrt(jnp.maximum(deg, 1.0))
    norm = dinv[src] * dinv[dst]
    h = gcn_conv(x, src, dst, norm, W1, b1, num_nodes)
    h = jax.nn.relu(h)
    out = gcn_conv(h, src, dst, norm, W2, b2, num_nodes)
    return out

if __name__ == "__main__":
    import jax
    _d = setup_inputs()
    print(jax.jit(kernel)(*tuple(_d.values())))

</pallas_src>

<mosaic_0001>
#map = affine_map<(d0, d1) -> (0, 0, 0)>
module attributes {stable_mosaic.version = 14 : i64} {
  func.func @_gather_scatter_body(%arg0: i32, %arg1: i32, %arg2: memref<2x10112x64xf32, #tpu.memory_space<hbm>>, %arg3: memref<32x79x128xi32, #tpu.memory_space<hbm>>, %arg4: memref<32x79x128xi32, #tpu.memory_space<hbm>>, %arg5: memref<2x10112x64xf32, #tpu.memory_space<hbm>>, %arg6: memref<158x128xi32, #tpu.memory_space<vmem>>, %arg7: memref<158x128xi32, #tpu.memory_space<vmem>>, %arg8: memref<128x64xf32, #tpu.memory_space<vmem>>, %arg9: memref<128x64xf32, #tpu.memory_space<vmem>>, %arg10: memref<10112x64xf32, #tpu.memory_space<vmem_shared>>, %arg11: memref<!tpu.dma_semaphore, #tpu.memory_space<semaphore_mem>>, %arg12: memref<!tpu.dma_semaphore, #tpu.memory_space<semaphore_mem>>) attributes {dimension_semantics = [#tpu.dimension_semantics<core_parallel>, #tpu.dimension_semantics<subcore_parallel>], iteration_bounds = array<i64: 2, 16>, scalar_prefetch = 0 : i64, scratch_operands = 7 : i64, tpu.core_type = #tpu.core_type<sc_vector_subcore>, window_params = [{transform_indices = #map}, {transform_indices = #map}, {transform_indices = #map}, {transform_indices = #map}]} {
    %mul3A = arith.constant 2 : i32
    %mul3A_0 = arith.muli %mul3A, %arg1 : i32
    "tpu.region"() ({
      %run_scoped3A = tpu.sem_alloc : memref<!tpu.dma_semaphore, #tpu.memory_space<semaphore_mem>>
      %dma_start3A_51 = arith.constant 0 : i32
      %dma_start3A_52 = arith.constant 0 : i32
      %dma_start3A_53 = tpu.memref_slice %arg6[%dma_start3A_51, %dma_start3A_52] : memref<158x128xi32, #tpu.memory_space<vmem>> -> memref<79x128xi32, #tpu.memory_space<vmem>>
      %dma_start3A_54 = arith.constant 0 : i32
      %dma_start3A_55 = arith.constant 0 : i32
      %dma_start3A_56 = tpu.memref_slice %arg3[%mul3A_0, %dma_start3A_54, %dma_start3A_55] : memref<32x79x128xi32, #tpu.memory_space<hbm>> -> memref<1x79x128xi32, #tpu.memory_space<hbm>>
      %dma_start3A_57 = tpu.memref_squeeze %dma_start3A_56 : memref<1x79x128xi32, #tpu.memory_space<hbm>> -> memref<79x128xi32, #tpu.memory_space<hbm>>
      %dma_start3A_58 = arith.constant 0 : i32
      %dma_start3A_59 = arith.constant 0 : i32
      %dma_start3A_60 = tpu.memref_slice %arg6[%dma_start3A_58, %dma_start3A_59] : memref<158x128xi32, #tpu.memory_space<vmem>> -> memref<79x128xi32, #tpu.memory_space<vmem>>
      %dma_start3A_61 = arith.constant 0 : i32
      %dma_start3A_62 = arith.constant 0 : i32
      %dma_start3A_63 = tpu.memref_slice %arg3[%mul3A_0, %dma_start3A_61, %dma_start3A_62] : memref<32x79x128xi32, #tpu.memory_space<hbm>> -> memref<1x79x128xi32, #tpu.memory_space<hbm>>
      %dma_start3A_64 = tpu.memref_squeeze %dma_start3A_63 : memref<1x79x128xi32, #tpu.memory_space<hbm>> -> memref<79x128xi32, #tpu.memory_space<hbm>>
      tpu.enqueue_dma source(%dma_start3A_64 : memref<79x128xi32, #tpu.memory_space<hbm>>) target(%dma_start3A_60 : memref<79x128xi32, #tpu.memory_space<vmem>>) target_semaphore(%run_scoped3A : memref<!tpu.dma_semaphore, #tpu.memory_space<semaphore_mem>>)
      %dma_wait3A = arith.constant 0 : i32
      %dma_wait3A_65 = arith.constant 0 : i32
      %dma_wait3A_66 = tpu.memref_slice %arg6[%dma_wait3A, %dma_wait3A_65] : memref<158x128xi32, #tpu.memory_space<vmem>> -> memref<79x128xi32, #tpu.memory_space<vmem>>
      %dma_wait3A_67 = arith.constant 0 : i32
      %dma_wait3A_68 = arith.constant 0 : i32
      %dma_wait3A_69 = tpu.memref_slice %arg3[%mul3A_0, %dma_wait3A_67, %dma_wait3A_68] : memref<32x79x128xi32, #tpu.memory_space<hbm>> -> memref<1x79x128xi32, #tpu.memory_space<hbm>>
      %dma_wait3A_70 = tpu.memref_squeeze %dma_wait3A_69 : memref<1x79x128xi32, #tpu.memory_space<hbm>> -> memref<79x128xi32, #tpu.memory_space<hbm>>
      %dma_wait3A_71 = arith.constant 0 : i32
      %dma_wait3A_72 = arith.constant 0 : i32
      %dma_wait3A_73 = tpu.memref_slice %arg6[%dma_wait3A_71, %dma_wait3A_72] : memref<158x128xi32, #tpu.memory_space<vmem>> -> memref<79x128xi32, #tpu.memory_space<vmem>>
      %dma_wait3A_74 = arith.constant 0 : i32
      %dma_wait3A_75 = arith.constant 0 : i32
      %dma_wait3A_76 = tpu.memref_slice %arg3[%mul3A_0, %dma_wait3A_74, %dma_wait3A_75] : memref<32x79x128xi32, #tpu.memory_space<hbm>> -> memref<1x79x128xi32, #tpu.memory_space<hbm>>
      %dma_wait3A_77 = tpu.memref_squeeze %dma_wait3A_76 : memref<1x79x128xi32, #tpu.memory_space<hbm>> -> memref<79x128xi32, #tpu.memory_space<hbm>>
      tpu.wait_dma2 semaphore(%run_scoped3A : memref<!tpu.dma_semaphore, #tpu.memory_space<semaphore_mem>>) src(%dma_wait3A_77 : memref<79x128xi32, #tpu.memory_space<hbm>>) dst(%dma_wait3A_73 : memref<79x128xi32, #tpu.memory_space<vmem>>)
      tpu.yield
    }) : () -> ()
    %mul3A_1 = arith.constant 2 : i32
    %mul3A_2 = arith.muli %mul3A_1, %arg1 : i32
    %add3A = arith.constant 1 : i32
    %add3A_3 = arith.addi %mul3A_2, %add3A : i32
    "tpu.region"() ({
      %run_scoped3A = tpu.sem_alloc : memref<!tpu.dma_semaphore, #tpu.memory_space<semaphore_mem>>
      %dma_start3A_51 = arith.constant 79 : i32
      %dma_start3A_52 = arith.constant 0 : i32
      %dma_start3A_53 = tpu.memref_slice %arg6[%dma_start3A_51, %dma_start3A_52] : memref<158x128xi32, #tpu.memory_space<vmem>> -> memref<79x128xi32, #tpu.memory_space<vmem>>
      %dma_start3A_54 = arith.constant 0 : i32
      %dma_start3A_55 = arith.constant 0 : i32
      %dma_start3A_56 = tpu.memref_slice %arg3[%add3A_3, %dma_start3A_54, %dma_start3A_55] : memref<32x79x128xi32, #tpu.memory_space<hbm>> -> memref<1x79x128xi32, #tpu.memory_space<hbm>>
      %dma_start3A_57 = tpu.memref_squeeze %dma_start3A_56 : memref<1x79x128xi32, #tpu.memory_space<hbm>> -> memref<79x128xi32, #tpu.memory_space<hbm>>
      %dma_start3A_58 = arith.constant 79 : i32
      %dma_start3A_59 = arith.constant 0 : i32
      %dma_start3A_60 = tpu.memref_slice %arg6[%dma_start3A_58, %dma_start3A_59] : memref<158x128xi32, #tpu.memory_space<vmem>> -> memref<79x128xi32, #tpu.memory_space<vmem>>
      %dma_start3A_61 = arith.constant 0 : i32
      %dma_start3A_62 = arith.constant 0 : i32
      %dma_start3A_63 = tpu.memref_slice %arg3[%add3A_3, %dma_start3A_61, %dma_start3A_62] : memref<32x79x128xi32, #tpu.memory_space<hbm>> -> memref<1x79x128xi32, #tpu.memory_space<hbm>>
      %dma_start3A_64 = tpu.memref_squeeze %dma_start3A_63 : memref<1x79x128xi32, #tpu.memory_space<hbm>> -> memref<79x128xi32, #tpu.memory_space<hbm>>
      tpu.enqueue_dma source(%dma_start3A_64 : memref<79x128xi32, #tpu.memory_space<hbm>>) target(%dma_start3A_60 : memref<79x128xi32, #tpu.memory_space<vmem>>) target_semaphore(%run_scoped3A : memref<!tpu.dma_semaphore, #tpu.memory_space<semaphore_mem>>)
      %dma_wait3A = arith.constant 79 : i32
      %dma_wait3A_65 = arith.constant 0 : i32
      %dma_wait3A_66 = tpu.memref_slice %arg6[%dma_wait3A, %dma_wait3A_65] : memref<158x128xi32, #tpu.memory_space<vmem>> -> memref<79x128xi32, #tpu.memory_space<vmem>>
      %dma_wait3A_67 = arith.constant 0 : i32
      %dma_wait3A_68 = arith.constant 0 : i32
      %dma_wait3A_69 = tpu.memref_slice %arg3[%add3A_3, %dma_wait3A_67, %dma_wait3A_68] : memref<32x79x128xi32, #tpu.memory_space<hbm>> -> memref<1x79x128xi32, #tpu.memory_space<hbm>>
      %dma_wait3A_70 = tpu.memref_squeeze %dma_wait3A_69 : memref<1x79x128xi32, #tpu.memory_space<hbm>> -> memref<79x128xi32, #tpu.memory_space<hbm>>
      %dma_wait3A_71 = arith.constant 79 : i32
      %dma_wait3A_72 = arith.constant 0 : i32
      %dma_wait3A_73 = tpu.memref_slice %arg6[%dma_wait3A_71, %dma_wait3A_72] : memref<158x128xi32, #tpu.memory_space<vmem>> -> memref<79x128xi32, #tpu.memory_space<vmem>>
      %dma_wait3A_74 = arith.constant 0 : i32
      %dma_wait3A_75 = arith.constant 0 : i32
      %dma_wait3A_76 = tpu.memref_slice %arg3[%add3A_3, %dma_wait3A_74, %dma_wait3A_75] : memref<32x79x128xi32, #tpu.memory_space<hbm>> -> memref<1x79x128xi32, #tpu.memory_space<hbm>>
      %dma_wait3A_77 = tpu.memref_squeeze %dma_wait3A_76 : memref<1x79x128xi32, #tpu.memory_space<hbm>> -> memref<79x128xi32, #tpu.memory_space<hbm>>
      tpu.wait_dma2 semaphore(%run_scoped3A : memref<!tpu.dma_semaphore, #tpu.memory_space<semaphore_mem>>) src(%dma_wait3A_77 : memref<79x128xi32, #tpu.memory_space<hbm>>) dst(%dma_wait3A_73 : memref<79x128xi32, #tpu.memory_space<vmem>>)
      tpu.yield
    }) : () -> ()
    %mul3A_4 = arith.constant 2 : i32
    %mul3A_5 = arith.muli %mul3A_4, %arg1 : i32
    "tpu.region"() ({
      %run_scoped3A = tpu.sem_alloc : memref<!tpu.dma_semaphore, #tpu.memory_space<semaphore_mem>>
      %dma_start3A_51 = arith.constant 0 : i32
      %dma_start3A_52 = arith.constant 0 : i32
      %dma_start3A_53 = tpu.memref_slice %arg7[%dma_start3A_51, %dma_start3A_52] : memref<158x128xi32, #tpu.memory_space<vmem>> -> memref<79x128xi32, #tpu.memory_space<vmem>>
      %dma_start3A_54 = arith.constant 0 : i32
      %dma_start3A_55 = arith.constant 0 : i32
      %dma_start3A_56 = tpu.memref_slice %arg4[%mul3A_5, %dma_start3A_54, %dma_start3A_55] : memref<32x79x128xi32, #tpu.memory_space<hbm>> -> memref<1x79x128xi32, #tpu.memory_space<hbm>>
      %dma_start3A_57 = tpu.memref_squeeze %dma_start3A_56 : memref<1x79x128xi32, #tpu.memory_space<hbm>> -> memref<79x128xi32, #tpu.memory_space<hbm>>
      %dma_start3A_58 = arith.constant 0 : i32
      %dma_start3A_59 = arith.constant 0 : i32
      %dma_start3A_60 = tpu.memref_slice %arg7[%dma_start3A_58, %dma_start3A_59] : memref<158x128xi32, #tpu.memory_space<vmem>> -> memref<79x128xi32, #tpu.memory_space<vmem>>
      %dma_start3A_61 = arith.constant 0 : i32
      %dma_start3A_62 = arith.constant 0 : i32
      %dma_start3A_63 = tpu.memref_slice %arg4[%mul3A_5, %dma_start3A_61, %dma_start3A_62] : memref<32x79x128xi32, #tpu.memory_space<hbm>> -> memref<1x79x128xi32, #tpu.memory_space<hbm>>
      %dma_start3A_64 = tpu.memref_squeeze %dma_start3A_63 : memref<1x79x128xi32, #tpu.memory_space<hbm>> -> memref<79x128xi32, #tpu.memory_space<hbm>>
      tpu.enqueue_dma source(%dma_start3A_64 : memref<79x128xi32, #tpu.memory_space<hbm>>) target(%dma_start3A_60 : memref<79x128xi32, #tpu.memory_space<vmem>>) target_semaphore(%run_scoped3A : memref<!tpu.dma_semaphore, #tpu.memory_space<semaphore_mem>>)
      %dma_wait3A = arith.constant 0 : i32
      %dma_wait3A_65 = arith.constant 0 : i32
      %dma_wait3A_66 = tpu.memref_slice %arg7[%dma_wait3A, %dma_wait3A_65] : memref<158x128xi32, #tpu.memory_space<vmem>> -> memref<79x128xi32, #tpu.memory_space<vmem>>
      %dma_wait3A_67 = arith.constant 0 : i32
      %dma_wait3A_68 = arith.constant 0 : i32
      %dma_wait3A_69 = tpu.memref_slice %arg4[%mul3A_5, %dma_wait3A_67, %dma_wait3A_68] : memref<32x79x128xi32, #tpu.memory_space<hbm>> -> memref<1x79x128xi32, #tpu.memory_space<hbm>>
      %dma_wait3A_70 = tpu.memref_squeeze %dma_wait3A_69 : memref<1x79x128xi32, #tpu.memory_space<hbm>> -> memref<79x128xi32, #tpu.memory_space<hbm>>
      %dma_wait3A_71 = arith.constant 0 : i32
      %dma_wait3A_72 = arith.constant 0 : i32
      %dma_wait3A_73 = tpu.memref_slice %arg7[%dma_wait3A_71, %dma_wait3A_72] : memref<158x128xi32, #tpu.memory_space<vmem>> -> memref<79x128xi32, #tpu.memory_space<vmem>>
      %dma_wait3A_74 = arith.constant 0 : i32
      %dma_wait3A_75 = arith.constant 0 : i32
      %dma_wait3A_76 = tpu.memref_slice %arg4[%mul3A_5, %dma_wait3A_74, %dma_wait3A_75] : memref<32x79x128xi32, #tpu.memory_space<hbm>> -> memref<1x79x128xi32, #tpu.memory_space<hbm>>
      %dma_wait3A_77 = tpu.memref_squeeze %dma_wait3A_76 : memref<1x79x128xi32, #tpu.memory_space<hbm>> -> memref<79x128xi32, #tpu.memory_space<hbm>>
      tpu.wait_dma2 semaphore(%run_scoped3A : memref<!tpu.dma_semaphore, #tpu.memory_space<semaphore_mem>>) src(%dma_wait3A_77 : memref<79x128xi32, #tpu.memory_space<hbm>>) dst(%dma_wait3A_73 : memref<79x128xi32, #tpu.memory_space<vmem>>)
      tpu.yield
    }) : () -> ()
    %mul3A_6 = arith.constant 2 : i32
    %mul3A_7 = arith.muli %mul3A_6, %arg1 : i32
    %add3A_8 = arith.constant 1 : i32
    %add3A_9 = arith.addi %mul3A_7, %add3A_8 : i32
    "tpu.region"() ({
      %run_scoped3A = tpu.sem_alloc : memref<!tpu.dma_semaphore, #tpu.memory_space<semaphore_mem>>
      %dma_start3A_51 = arith.constant 79 : i32
      %dma_start3A_52 = arith.constant 0 : i32
      %dma_start3A_53 = tpu.memref_slice %arg7[%dma_start3A_51, %dma_start3A_52] : memref<158x128xi32, #tpu.memory_space<vmem>> -> memref<79x128xi32, #tpu.memory_space<vmem>>
      %dma_start3A_54 = arith.constant 0 : i32
      %dma_start3A_55 = arith.constant 0 : i32
      %dma_start3A_56 = tpu.memref_slice %arg4[%add3A_9, %dma_start3A_54, %dma_start3A_55] : memref<32x79x128xi32, #tpu.memory_space<hbm>> -> memref<1x79x128xi32, #tpu.memory_space<hbm>>
      %dma_start3A_57 = tpu.memref_squeeze %dma_start3A_56 : memref<1x79x128xi32, #tpu.memory_space<hbm>> -> memref<79x128xi32, #tpu.memory_space<hbm>>
      %dma_start3A_58 = arith.constant 79 : i32
      %dma_start3A_59 = arith.constant 0 : i32
      %dma_start3A_60 = tpu.memref_slice %arg7[%dma_start3A_58, %dma_start3A_59] : memref<158x128xi32, #tpu.memory_space<vmem>> -> memref<79x128xi32, #tpu.memory_space<vmem>>
      %dma_start3A_61 = arith.constant 0 : i32
      %dma_start3A_62 = arith.constant 0 : i32
      %dma_start3A_63 = tpu.memref_slice %arg4[%add3A_9, %dma_start3A_61, %dma_start3A_62] : memref<32x79x128xi32, #tpu.memory_space<hbm>> -> memref<1x79x128xi32, #tpu.memory_space<hbm>>
      %dma_start3A_64 = tpu.memref_squeeze %dma_start3A_63 : memref<1x79x128xi32, #tpu.memory_space<hbm>> -> memref<79x128xi32, #tpu.memory_space<hbm>>
      tpu.enqueue_dma source(%dma_start3A_64 : memref<79x128xi32, #tpu.memory_space<hbm>>) target(%dma_start3A_60 : memref<79x128xi32, #tpu.memory_space<vmem>>) target_semaphore(%run_scoped3A : memref<!tpu.dma_semaphore, #tpu.memory_space<semaphore_mem>>)
      %dma_wait3A = arith.constant 79 : i32
      %dma_wait3A_65 = arith.constant 0 : i32
      %dma_wait3A_66 = tpu.memref_slice %arg7[%dma_wait3A, %dma_wait3A_65] : memref<158x128xi32, #tpu.memory_space<vmem>> -> memref<79x128xi32, #tpu.memory_space<vmem>>
      %dma_wait3A_67 = arith.constant 0 : i32
      %dma_wait3A_68 = arith.constant 0 : i32
      %dma_wait3A_69 = tpu.memref_slice %arg4[%add3A_9, %dma_wait3A_67, %dma_wait3A_68] : memref<32x79x128xi32, #tpu.memory_space<hbm>> -> memref<1x79x128xi32, #tpu.memory_space<hbm>>
      %dma_wait3A_70 = tpu.memref_squeeze %dma_wait3A_69 : memref<1x79x128xi32, #tpu.memory_space<hbm>> -> memref<79x128xi32, #tpu.memory_space<hbm>>
      %dma_wait3A_71 = arith.constant 79 : i32
      %dma_wait3A_72 = arith.constant 0 : i32
      %dma_wait3A_73 = tpu.memref_slice %arg7[%dma_wait3A_71, %dma_wait3A_72] : memref<158x128xi32, #tpu.memory_space<vmem>> -> memref<79x128xi32, #tpu.memory_space<vmem>>
      %dma_wait3A_74 = arith.constant 0 : i32
      %dma_wait3A_75 = arith.constant 0 : i32
      %dma_wait3A_76 = tpu.memref_slice %arg4[%add3A_9, %dma_wait3A_74, %dma_wait3A_75] : memref<32x79x128xi32, #tpu.memory_space<hbm>> -> memref<1x79x128xi32, #tpu.memory_space<hbm>>
      %dma_wait3A_77 = tpu.memref_squeeze %dma_wait3A_76 : memref<1x79x128xi32, #tpu.memory_space<hbm>> -> memref<79x128xi32, #tpu.memory_space<hbm>>
      tpu.wait_dma2 semaphore(%run_scoped3A : memref<!tpu.dma_semaphore, #tpu.memory_space<semaphore_mem>>) src(%dma_wait3A_77 : memref<79x128xi32, #tpu.memory_space<hbm>>) dst(%dma_wait3A_73 : memref<79x128xi32, #tpu.memory_space<vmem>>)
      tpu.yield
    }) : () -> ()
    %broadcast_in_dim3A = arith.constant 0.000000e+00 : f32
    %broadcast_in_dim3A_10 = vector.broadcast %broadcast_in_dim3A : f32 to vector<16xf32>
    %scan3A = arith.constant 0 : i32
    %scan3A_11 = arith.constant 0 : i32
    %scan3A_12 = arith.constant 512 : i32
    %scan3A_13 = arith.addi %scan3A_11, %scan3A_12 : i32
    %scan3A_14 = arith.constant 1 : i32
    %scan3A_15 = scf.for %scan3A_51 = %scan3A_11 to %scan3A_13 step %scan3A_14 iter_args(%scan3A_52 = %scan3A) -> (i32)  : i32 {
      %jit3A = arith.constant 4 : i32
      %div3A = arith.divsi %scan3A_51, %jit3A : i32
      %sign3A = arith.constant 0 : i32
      %sign3A_53 = arith.cmpi sgt, %scan3A_51, %sign3A : i32
      %sign3A_54 = arith.extui %sign3A_53 : i1 to i32
      %sign3A_55 = arith.constant 0 : i32
      %sign3A_56 = arith.cmpi slt, %scan3A_51, %sign3A_55 : i32
      %sign3A_57 = arith.extui %sign3A_56 : i1 to i32
      %sign3A_58 = arith.subi %sign3A_54, %sign3A_57 : i32
      %sign3A_59 = arith.constant 0 : i32
      %sign3A_60 = arith.cmpi sgt, %jit3A, %sign3A_59 : i32
      %sign3A_61 = arith.extui %sign3A_60 : i1 to i32
      %sign3A_62 = arith.constant 0 : i32
      %sign3A_63 = arith.cmpi slt, %jit3A, %sign3A_62 : i32
      %sign3A_64 = arith.extui %sign3A_63 : i1 to i32
      %sign3A_65 = arith.subi %sign3A_61, %sign3A_64 : i32
      %ne3A = arith.cmpi ne, %sign3A_58, %sign3A_65 : i32
      %rem3A = arith.remsi %scan3A_51, %jit3A : i32
      %ne3A_66 = arith.constant 0 : i32
      %ne3A_67 = arith.cmpi ne, %rem3A, %ne3A_66 : i32
      %and3A = arith.andi %ne3A, %ne3A_67 : i1
      %sub3A = arith.constant 1 : i32
      %sub3A_68 = arith.subi %div3A, %sub3A : i32
      %select_n3A = arith.select %and3A, %sub3A_68, %div3A : i32
      %jit3A_69 = arith.constant 4 : i32
      %eq3A = arith.constant 0 : i32
      %eq3A_70 = arith.cmpi eq, %jit3A_69, %eq3A : i32
      %jit3A_71 = arith.constant 1 : i32
      %select_n3A_72 = arith.select %eq3A_70, %jit3A_71, %jit3A_69 : i32
      %rem3A_73 = arith.remsi %scan3A_51, %select_n3A_72 : i32
      %ne3A_74 = arith.constant 0 : i32
      %ne3A_75 = arith.cmpi ne, %rem3A_73, %ne3A_74 : i32
      %lt3A = arith.constant 0 : i32
      %lt3A_76 = arith.cmpi slt, %rem3A_73, %lt3A : i32
      %lt3A_77 = arith.constant 0 : i32
      %lt3A_78 = arith.cmpi slt, %select_n3A_72, %lt3A_77 : i32
      %ne3A_79 = arith.xori %lt3A_76, %lt3A_78 : i1
      %and3A_80 = arith.andi %ne3A_79, %ne3A_75 : i1
      %add3A_81 = arith.addi %rem3A_73, %select_n3A_72 : i32
      %select_n3A_82 = arith.select %and3A_80, %add3A_81, %rem3A_73 : i32
      %mul3A_83 = arith.constant 16 : i32
      %mul3A_84 = arith.muli %select_n3A_82, %mul3A_83 : i32
      %swap3A = arith.index_cast %select_n3A : i32 to index
      %swap3A_85 = arith.index_cast %mul3A_84 : i32 to index
      %swap3A_86 = tpu.vector_load %arg8[%swap3A, %swap3A_85] {strides = array<i32>} : memref<128x64xf32, #tpu.memory_space<vmem>>, vector<1x16xf32>,
      %swap3A_87 = vector.shape_cast %swap3A_86 : vector<1x16xf32> to vector<16xf32>
      %swap3A_88 = vector.shape_cast %broadcast_in_dim3A_10 : vector<16xf32> to vector<1x16xf32>
      tpu.vector_store %arg8[%swap3A, %swap3A_85], %swap3A_88 {strides = array<i32>} : memref<128x64xf32, #tpu.memory_space<vmem>>, vector<1x16xf32>,
      %scan3A_89 = arith.constant 0 : i32
      scf.yield %scan3A_89 : i32
    }
    %scan3A_16 = arith.constant 512 : i32
    %mul3A_17 = arith.constant 632 : i32
    %mul3A_18 = arith.muli %mul3A_17, %arg1 : i32
    %add3A_19 = arith.constant 0 : i32
    %add3A_20 = arith.addi %mul3A_18, %add3A_19 : i32
    "tpu.region"() ({
      %run_scoped3A = tpu.sem_alloc : memref<!tpu.dma_semaphore, #tpu.memory_space<semaphore_mem>>
      %dma_start3A_51 = arith.constant 0 : i32
      %dma_start3A_52 = tpu.memref_slice %arg10[%add3A_20, %dma_start3A_51] : memref<10112x64xf32, #tpu.memory_space<vmem_shared>> -> memref<128x64xf32, #tpu.memory_space<vmem_shared>>
      %dma_start3A_53 = arith.constant 0 : i32
      %dma_start3A_54 = tpu.memref_slice %arg10[%add3A_20, %dma_start3A_53] : memref<10112x64xf32, #tpu.memory_space<vmem_shared>> -> memref<128x64xf32, #tpu.memory_space<vmem_shared>>
      tpu.enqueue_dma source(%arg8 : memref<128x64xf32, #tpu.memory_space<vmem>>) target(%dma_start3A_54 : memref<128x64xf32, #tpu.memory_space<vmem_shared>>) target_semaphore(%run_scoped3A : memref<!tpu.dma_semaphore, #tpu.memory_space<semaphore_mem>>)
      %dma_wait3A = arith.constant 0 : i32
      %dma_wait3A_55 = tpu.memref_slice %arg10[%add3A_20, %dma_wait3A] : memref<10112x64xf32, #tpu.memory_space<vmem_shared>> -> memref<128x64xf32, #tpu.memory_space<vmem_shared>>
      %dma_wait3A_56 = arith.constant 0 : i32
      %dma_wait3A_57 = tpu.memref_slice %arg10[%add3A_20, %dma_wait3A_56] : memref<10112x64xf32, #tpu.memory_space<vmem_shared>> -> memref<128x64xf32, #tpu.memory_space<vmem_shared>>
      tpu.wait_dma2 semaphore(%run_scoped3A : memref<!tpu.dma_semaphore, #tpu.memory_space<semaphore_mem>>) src(%arg8 : memref<128x64xf32, #tpu.memory_space<vmem>>) dst(%dma_wait3A_57 : memref<128x64xf32, #tpu.memory_space<vmem_shared>>)
      tpu.yield
    }) : () -> ()
    %add3A_21 = arith.constant 128 : i32
    %add3A_22 = arith.addi %mul3A_18, %add3A_21 : i32
    "tpu.region"() ({
      %run_scoped3A = tpu.sem_alloc : memref<!tpu.dma_semaphore, #tpu.memory_space<semaphore_mem>>
      %dma_start3A_51 = arith.constant 0 : i32
      %dma_start3A_52 = tpu.memref_slice %arg10[%add3A_22, %dma_start3A_51] : memref<10112x64xf32, #tpu.memory_space<vmem_shared>> -> memref<128x64xf32, #tpu.memory_space<vmem_shared>>
      %dma_start3A_53 = arith.constant 0 : i32
      %dma_start3A_54 = tpu.memref_slice %arg10[%add3A_22, %dma_start3A_53] : memref<10112x64xf32, #tpu.memory_space<vmem_shared>> -> memref<128x64xf32, #tpu.memory_space<vmem_shared>>
      tpu.enqueue_dma source(%arg8 : memref<128x64xf32, #tpu.memory_space<vmem>>) target(%dma_start3A_54 : memref<128x64xf32, #tpu.memory_space<vmem_shared>>) target_semaphore(%run_scoped3A : memref<!tpu.dma_semaphore, #tpu.memory_space<semaphore_mem>>)
      %dma_wait3A = arith.constant 0 : i32
      %dma_wait3A_55 = tpu.memref_slice %arg10[%add3A_22, %dma_wait3A] : memref<10112x64xf32, #tpu.memory_space<vmem_shared>> -> memref<128x64xf32, #tpu.memory_space<vmem_shared>>
      %dma_wait3A_56 = arith.constant 0 : i32
      %dma_wait3A_57 = tpu.memref_slice %arg10[%add3A_22, %dma_wait3A_56] : memref<10112x64xf32, #tpu.memory_space<vmem_shared>> -> memref<128x64xf32, #tpu.memory_space<vmem_shared>>
      tpu.wait_dma2 semaphore(%run_scoped3A : memref<!tpu.dma_semaphore, #tpu.memory_space<semaphore_mem>>) src(%arg8 : memref<128x64xf32, #tpu.memory_space<vmem>>) dst(%dma_wait3A_57 : memref<128x64xf32, #tpu.memory_space<vmem_shared>>)
      tpu.yield
    }) : () -> ()
    %add3A_23 = arith.constant 256 : i32
    %add3A_24 = arith.addi %mul3A_18, %add3A_23 : i32
    "tpu.region"() ({
      %run_scoped3A = tpu.sem_alloc : memref<!tpu.dma_semaphore, #tpu.memory_space<semaphore_mem>>
      %dma_start3A_51 = arith.constant 0 : i32
      %dma_start3A_52 = tpu.memref_slice %arg10[%add3A_24, %dma_start3A_51] : memref<10112x64xf32, #tpu.memory_space<vmem_shared>> -> memref<128x64xf32, #tpu.memory_space<vmem_shared>>
      %dma_start3A_53 = arith.constant 0 : i32
      %dma_start3A_54 = tpu.memref_slice %arg10[%add3A_24, %dma_start3A_53] : memref<10112x64xf32, #tpu.memory_space<vmem_shared>> -> memref<128x64xf32, #tpu.memory_space<vmem_shared>>
      tpu.enqueue_dma source(%arg8 : memref<128x64xf32, #tpu.memory_space<vmem>>) target(%dma_start3A_54 : memref<128x64xf32, #tpu.memory_space<vmem_shared>>) target_semaphore(%run_scoped3A : memref<!tpu.dma_semaphore, #tpu.memory_space<semaphore_mem>>)
      %dma_wait3A = arith.constant 0 : i32
      %dma_wait3A_55 = tpu.memref_slice %arg10[%add3A_24, %dma_wait3A] : memref<10112x64xf32, #tpu.memory_space<vmem_shared>> -> memref<128x64xf32, #tpu.memory_space<vmem_shared>>
      %dma_wait3A_56 = arith.constant 0 : i32
      %dma_wait3A_57 = tpu.memref_slice %arg10[%add3A_24, %dma_wait3A_56] : memref<10112x64xf32, #tpu.memory_space<vmem_shared>> -> memref<128x64xf32, #tpu.memory_space<vmem_shared>>
      tpu.wait_dma2 semaphore(%run_scoped3A : memref<!tpu.dma_semaphore, #tpu.memory_space<semaphore_mem>>) src(%arg8 : memref<128x64xf32, #tpu.memory_space<vmem>>) dst(%dma_wait3A_57 : memref<128x64xf32, #tpu.memory_space<vmem_shared>>)
      tpu.yield
    }) : () -> ()
    %add3A_25 = arith.constant 384 : i32
    %add3A_26 = arith.addi %mul3A_18, %add3A_25 : i32
    "tpu.region"() ({
      %run_scoped3A = tpu.sem_alloc : memref<!tpu.dma_semaphore, #tpu.memory_space<semaphore_mem>>
      %dma_start3A_51 = arith.constant 0 : i32
      %dma_start3A_52 = tpu.memref_slice %arg10[%add3A_26, %dma_start3A_51] : memref<10112x64xf32, #tpu.memory_space<vmem_shared>> -> memref<128x64xf32, #tpu.memory_space<vmem_shared>>
      %dma_start3A_53 = arith.constant 0 : i32
      %dma_start3A_54 = tpu.memref_slice %arg10[%add3A_26, %dma_start3A_53] : memref<10112x64xf32, #tpu.memory_space<vmem_shared>> -> memref<128x64xf32, #tpu.memory_space<vmem_shared>>
      tpu.enqueue_dma source(%arg8 : memref<128x64xf32, #tpu.memory_space<vmem>>) target(%dma_start3A_54 : memref<128x64xf32, #tpu.memory_space<vmem_shared>>) target_semaphore(%run_scoped3A : memref<!tpu.dma_semaphore, #tpu.memory_space<semaphore_mem>>)
      %dma_wait3A = arith.constant 0 : i32
      %dma_wait3A_55 = tpu.memref_slice %arg10[%add3A_26, %dma_wait3A] : memref<10112x64xf32, #tpu.memory_space<vmem_shared>> -> memref<128x64xf32, #tpu.memory_space<vmem_shared>>
      %dma_wait3A_56 = arith.constant 0 : i32
      %dma_wait3A_57 = tpu.memref_slice %arg10[%add3A_26, %dma_wait3A_56] : memref<10112x64xf32, #tpu.memory_space<vmem_shared>> -> memref<128x64xf32, #tpu.memory_space<vmem_shared>>
      tpu.wait_dma2 semaphore(%run_scoped3A : memref<!tpu.dma_semaphore, #tpu.memory_space<semaphore_mem>>) src(%arg8 : memref<128x64xf32, #tpu.memory_space<vmem>>) dst(%dma_wait3A_57 : memref<128x64xf32, #tpu.memory_space<vmem_shared>>)
      tpu.yield
    }) : () -> ()
    %add3A_27 = arith.constant 512 : i32
    %add3A_28 = arith.addi %mul3A_18, %add3A_27 : i32
    "tpu.region"() ({
      %run_scoped3A = tpu.sem_alloc : memref<!tpu.dma_semaphore, #tpu.memory_space<semaphore_mem>>
      %dma_start3A_51 = arith.constant 0 : i32
      %dma_start3A_52 = arith.constant 0 : i32
      %dma_start3A_53 = tpu.memref_slice %arg8[%dma_start3A_51, %dma_start3A_52] : memref<128x64xf32, #tpu.memory_space<vmem>> -> memref<120x64xf32, #tpu.memory_space<vmem>>
      %dma_start3A_54 = arith.constant 0 : i32
      %dma_start3A_55 = tpu.memref_slice %arg10[%add3A_28, %dma_start3A_54] : memref<10112x64xf32, #tpu.memory_space<vmem_shared>> -> memref<120x64xf32, #tpu.memory_space<vmem_shared>>
      %dma_start3A_56 = arith.constant 0 : i32
      %dma_start3A_57 = tpu.memref_slice %arg10[%add3A_28, %dma_start3A_56] : memref<10112x64xf32, #tpu.memory_space<vmem_shared>> -> memref<120x64xf32, #tpu.memory_space<vmem_shared>>
      %dma_start3A_58 = arith.constant 0 : i32
      %dma_start3A_59 = arith.constant 0 : i32
      %dma_start3A_60 = tpu.memref_slice %arg8[%dma_start3A_58, %dma_start3A_59] : memref<128x64xf32, #tpu.memory_space<vmem>> -> memref<120x64xf32, #tpu.memory_space<vmem>>
      tpu.enqueue_dma source(%dma_start3A_60 : memref<120x64xf32, #tpu.memory_space<vmem>>) target(%dma_start3A_57 : memref<120x64xf32, #tpu.memory_space<vmem_shared>>) target_semaphore(%run_scoped3A : memref<!tpu.dma_semaphore, #tpu.memory_space<semaphore_mem>>)
      %dma_wait3A = arith.constant 0 : i32
      %dma_wait3A_61 = arith.constant 0 : i32
      %dma_wait3A_62 = tpu.memref_slice %arg8[%dma_wait3A, %dma_wait3A_61] : memref<128x64xf32, #tpu.memory_space<vmem>> -> memref<120x64xf32, #tpu.memory_space<vmem>>
      %dma_wait3A_63 = arith.constant 0 : i32
      %dma_wait3A_64 = tpu.memref_slice %arg10[%add3A_28, %dma_wait3A_63] : memref<10112x64xf32, #tpu.memory_space<vmem_shared>> -> memref<120x64xf32, #tpu.memory_space<vmem_shared>>
      %dma_wait3A_65 = arith.constant 0 : i32
      %dma_wait3A_66 = tpu.memref_slice %arg10[%add3A_28, %dma_wait3A_65] : memref<10112x64xf32, #tpu.memory_space<vmem_shared>> -> memref<120x64xf32, #tpu.memory_space<vmem_shared>>
      %dma_wait3A_67 = arith.constant 0 : i32
      %dma_wait3A_68 = arith.constant 0 : i32
      %dma_wait3A_69 = tpu.memref_slice %arg8[%dma_wait3A_67, %dma_wait3A_68] : memref<128x64xf32, #tpu.memory_space<vmem>> -> memref<120x64xf32, #tpu.memory_space<vmem>>
      tpu.wait_dma2 semaphore(%run_scoped3A : memref<!tpu.dma_semaphore, #tpu.memory_space<semaphore_mem>>) src(%dma_wait3A_69 : memref<120x64xf32, #tpu.memory_space<vmem>>) dst(%dma_wait3A_66 : memref<120x64xf32, #tpu.memory_space<vmem_shared>>)
      tpu.yield
    }) : () -> ()
    %barrier3A = arith.constant 0 : index
    tpu.barrier barrier_id(%barrier3A)
    %dma_start3A = arith.constant 0 : i32
    %dma_start3A_29 = arith.constant 0 : i32
    %dma_start3A_30 = tpu.memref_slice %arg6[%dma_start3A, %dma_start3A_29] : memref<158x128xi32, #tpu.memory_space<vmem>> -> memref<1x128xi32, #tpu.memory_space<vmem>>
    %dma_start3A_31 = tpu.memref_squeeze %dma_start3A_30 : memref<1x128xi32, #tpu.memory_space<vmem>> -> memref<128xi32, #tpu.memory_space<vmem>>
    %dma_start3A_32 = arith.constant 0 : i32
    %dma_start3A_33 = arith.constant 0 : i32
    %dma_start3A_34 = tpu.memref_slice %arg2[%arg0, %dma_start3A_32, %dma_start3A_33] : memref<2x10112x64xf32, #tpu.memory_space<hbm>> -> memref<1x10112x64xf32, #tpu.memory_space<hbm>>
    %dma_start3A_35 = tpu.memref_squeeze %dma_start3A_34 : memref<1x10112x64xf32, #tpu.memory_space<hbm>> -> memref<10112x64xf32, #tpu.memory_space<hbm>>
    %dma_start3A_36 = arith.constant 0 : i32
    %dma_start3A_37 = arith.constant 0 : i32
    %dma_start3A_38 = tpu.memref_slice %dma_start3A_35[%dma_start3A_36, %dma_start3A_37] : memref<10112x64xf32, #tpu.memory_space<hbm>> -> memref<10112x64xf32, #tpu.memory_space<hbm>>
    tpu.enqueue_indirect_dma source(%dma_start3A_38 : memref<10112x64xf32, #tpu.memory_space<hbm>>) target(%arg8 : memref<128x64xf32, #tpu.memory_space<vmem>>) offsets(%dma_start3A_31 : memref<128xi32, #tpu.memory_space<vmem>>) semaphore(%arg11 : memref<!tpu.dma_semaphore, #tpu.memory_space<semaphore_mem>>)
    %scan3A_39 = arith.constant 0 : i32
    %scan3A_40 = arith.constant 0 : i32
    %scan3A_41 = arith.constant 79 : i32
    %scan3A_42 = arith.addi %scan3A_40, %scan3A_41 : i32
    %scan3A_43 = arith.constant 1 : i32
    %scan3A_44 = scf.for %scan3A_51 = %scan3A_40 to %scan3A_42 step %scan3A_43 iter_args(%scan3A_52 = %scan3A_39) -> (i32)  : i32 {
      %mul3A_53 = arith.constant 2 : i32
      %mul3A_54 = arith.muli %mul3A_53, %scan3A_51 : i32
      %add3A_55 = arith.constant 0 : i32
      %add3A_56 = arith.addi %mul3A_54, %add3A_55 : i32
      %add3A_57 = arith.constant 1 : i32
      %add3A_58 = arith.addi %add3A_56, %add3A_57 : i32
      %lt3A = arith.constant 158 : i32
      %lt3A_59 = arith.cmpi slt, %add3A_58, %lt3A : i32
      %convert_element_type3A = arith.extui %lt3A_59 : i1 to i32
      %cond3A = arith.constant 0 : i32
      %cond3A_60 = arith.cmpi ne, %convert_element_type3A, %cond3A : i32
      scf.if %cond3A_60 {
        %add3A_92 = arith.constant 1 : i32
        %add3A_93 = arith.addi %add3A_56, %add3A_92 : i32
        %dma_start3A_94 = arith.constant 0 : i32
        %dma_start3A_95 = tpu.memref_slice %arg6[%add3A_93, %dma_start3A_94] : memref<158x128xi32, #tpu.memory_space<vmem>> -> memref<1x128xi32, #tpu.memory_space<vmem>>
        %dma_start3A_96 = tpu.memref_squeeze %dma_start3A_95 : memref<1x128xi32, #tpu.memory_space<vmem>> -> memref<128xi32, #tpu.memory_space<vmem>>
        %dma_start3A_97 = arith.constant 0 : i32
        %dma_start3A_98 = arith.constant 0 : i32
        %dma_start3A_99 = tpu.memref_slice %arg2[%arg0, %dma_start3A_97, %dma_start3A_98] : memref<2x10112x64xf32, #tpu.memory_space<hbm>> -> memref<1x10112x64xf32, #tpu.memory_space<hbm>>
        %dma_start3A_100 = tpu.memref_squeeze %dma_start3A_99 : memref<1x10112x64xf32, #tpu.memory_space<hbm>> -> memref<10112x64xf32, #tpu.memory_space<hbm>>
        %dma_start3A_101 = arith.constant 0 : i32
        %dma_start3A_102 = arith.constant 0 : i32
        %dma_start3A_103 = tpu.memref_slice %dma_start3A_100[%dma_start3A_101, %dma_start3A_102] : memref<10112x64xf32, #tpu.memory_space<hbm>> -> memref<10112x64xf32, #tpu.memory_space<hbm>>
        tpu.enqueue_indirect_dma source(%dma_start3A_103 : memref<10112x64xf32, #tpu.memory_space<hbm>>) target(%arg9 : memref<128x64xf32, #tpu.memory_space<vmem>>) offsets(%dma_start3A_96 : memref<128xi32, #tpu.memory_space<vmem>>) semaphore(%arg12 : memref<!tpu.dma_semaphore, #tpu.memory_space<semaphore_mem>>)
      } else {
      }
      %dma_wait3A = arith.constant 0 : i32
      %dma_wait3A_61 = tpu.memref_slice %arg6[%add3A_56, %dma_wait3A] : memref<158x128xi32, #tpu.memory_space<vmem>> -> memref<1x128xi32, #tpu.memory_space<vmem>>
      %dma_wait3A_62 = tpu.memref_squeeze %dma_wait3A_61 : memref<1x128xi32, #tpu.memory_space<vmem>> -> memref<128xi32, #tpu.memory_space<vmem>>
      %dma_wait3A_63 = arith.constant 0 : i32
      %dma_wait3A_64 = arith.constant 0 : i32
      %dma_wait3A_65 = tpu.memref_slice %arg2[%arg0, %dma_wait3A_63, %dma_wait3A_64] : memref<2x10112x64xf32, #tpu.memory_space<hbm>> -> memref<1x10112x64xf32, #tpu.memory_space<hbm>>
      %dma_wait3A_66 = tpu.memref_squeeze %dma_wait3A_65 : memref<1x10112x64xf32, #tpu.memory_space<hbm>> -> memref<10112x64xf32, #tpu.memory_space<hbm>>
      %dma_wait3A_67 = arith.constant 0 : i32
      %dma_wait3A_68 = arith.constant 0 : i32
      %dma_wait3A_69 = tpu.memref_slice %dma_wait3A_66[%dma_wait3A_67, %dma_wait3A_68] : memref<10112x64xf32, #tpu.memory_space<hbm>> -> memref<10112x64xf32, #tpu.memory_space<hbm>>
      tpu.wait_indirect_dma semaphore(%arg11 : memref<!tpu.dma_semaphore, #tpu.memory_space<semaphore_mem>>) src(%dma_wait3A_69 : memref<10112x64xf32, #tpu.memory_space<hbm>>) dst(%arg8 : memref<128x64xf32, #tpu.memory_space<vmem>>)
      "tpu.region"() ({
        %run_scoped3A = tpu.sem_alloc : memref<!tpu.dma_semaphore, #tpu.memory_space<semaphore_mem>>
        %dma_start3A_92 = arith.constant 0 : i32
        %dma_start3A_93 = tpu.memref_slice %arg7[%add3A_56, %dma_start3A_92] : memref<158x128xi32, #tpu.memory_space<vmem>> -> memref<1x128xi32, #tpu.memory_space<vmem>>
        %dma_start3A_94 = tpu.memref_squeeze %dma_start3A_93 : memref<1x128xi32, #tpu.memory_space<vmem>> -> memref<128xi32, #tpu.memory_space<vmem>>
        %dma_start3A_95 = arith.constant 0 : i32
        %dma_start3A_96 = arith.constant 0 : i32
        %dma_start3A_97 = tpu.memref_slice %arg10[%dma_start3A_95, %dma_start3A_96] : memref<10112x64xf32, #tpu.memory_space<vmem_shared>> -> memref<10112x64xf32, #tpu.memory_space<vmem_shared>>
        tpu.enqueue_indirect_dma source(%arg8 : memref<128x64xf32, #tpu.memory_space<vmem>>) target(%dma_start3A_97 : memref<10112x64xf32, #tpu.memory_space<vmem_shared>>) offsets(%dma_start3A_94 : memref<128xi32, #tpu.memory_space<vmem>>) semaphore(%run_scoped3A : memref<!tpu.dma_semaphore, #tpu.memory_space<semaphore_mem>>) {add = true}
        %dma_wait3A_98 = arith.constant 0 : i32
        %dma_wait3A_99 = tpu.memref_slice %arg7[%add3A_56, %dma_wait3A_98] : memref<158x128xi32, #tpu.memory_space<vmem>> -> memref<1x128xi32, #tpu.memory_space<vmem>>
        %dma_wait3A_100 = tpu.memref_squeeze %dma_wait3A_99 : memref<1x128xi32, #tpu.memory_space<vmem>> -> memref<128xi32, #tpu.memory_space<vmem>>
        %dma_wait3A_101 = arith.constant 0 : i32
        %dma_wait3A_102 = arith.constant 0 : i32
        %dma_wait3A_103 = tpu.memref_slice %arg10[%dma_wait3A_101, %dma_wait3A_102] : memref<10112x64xf32, #tpu.memory_space<vmem_shared>> -> memref<10112x64xf32, #tpu.memory_space<vmem_shared>>
        tpu.wait_indirect_dma semaphore(%run_scoped3A : memref<!tpu.dma_semaphore, #tpu.memory_space<semaphore_mem>>) src(%arg8 : memref<128x64xf32, #tpu.memory_space<vmem>>) dst(%dma_wait3A_103 : memref<10112x64xf32, #tpu.memory_space<vmem_shared>>)
        tpu.yield
      }) : () -> ()
      %mul3A_70 = arith.constant 2 : i32
      %mul3A_71 = arith.muli %mul3A_70, %scan3A_51 : i32
      %add3A_72 = arith.constant 1 : i32
      %add3A_73 = arith.addi %mul3A_71, %add3A_72 : i32
      %add3A_74 = arith.constant 1 : i32
      %add3A_75 = arith.addi %add3A_73, %add3A_74 : i32
      %lt3A_76 = arith.constant 158 : i32
      %lt3A_77 = arith.cmpi slt, %add3A_75, %lt3A_76 : i32
      %convert_element_type3A_78 = arith.extui %lt3A_77 : i1 to i32
      %cond3A_79 = arith.constant 0 : i32
      %cond3A_80 = arith.cmpi ne, %convert_element_type3A_78, %cond3A_79 : i32
      scf.if %cond3A_80 {
        %add3A_92 = arith.constant 1 : i32
        %add3A_93 = arith.addi %add3A_73, %add3A_92 : i32
        %dma_start3A_94 = arith.constant 0 : i32
        %dma_start3A_95 = tpu.memref_slice %arg6[%add3A_93, %dma_start3A_94] : memref<158x128xi32, #tpu.memory_space<vmem>> -> memref<1x128xi32, #tpu.memory_space<vmem>>
        %dma_start3A_96 = tpu.memref_squeeze %dma_start3A_95 : memref<1x128xi32, #tpu.memory_space<vmem>> -> memref<128xi32, #tpu.memory_space<vmem>>
        %dma_start3A_97 = arith.constant 0 : i32
        %dma_start3A_98 = arith.constant 0 : i32
        %dma_start3A_99 = tpu.memref_slice %arg2[%arg0, %dma_start3A_97, %dma_start3A_98] : memref<2x10112x64xf32, #tpu.memory_space<hbm>> -> memref<1x10112x64xf32, #tpu.memory_space<hbm>>
        %dma_start3A_100 = tpu.memref_squeeze %dma_start3A_99 : memref<1x10112x64xf32, #tpu.memory_space<hbm>> -> memref<10112x64xf32, #tpu.memory_space<hbm>>
        %dma_start3A_101 = arith.constant 0 : i32
        %dma_start3A_102 = arith.constant 0 : i32
        %dma_start3A_103 = tpu.memref_slice %dma_start3A_100[%dma_start3A_101, %dma_start3A_102] : memref<10112x64xf32, #tpu.memory_space<hbm>> -> memref<10112x64xf32, #tpu.memory_space<hbm>>
        tpu.enqueue_indirect_dma source(%dma_start3A_103 : memref<10112x64xf32, #tpu.memory_space<hbm>>) target(%arg8 : memref<128x64xf32, #tpu.memory_space<vmem>>) offsets(%dma_start3A_96 : memref<128xi32, #tpu.memory_space<vmem>>) semaphore(%arg11 : memref<!tpu.dma_semaphore, #tpu.memory_space<semaphore_mem>>)
      } else {
      }
      %dma_wait3A_81 = arith.constant 0 : i32
      %dma_wait3A_82 = tpu.memref_slice %arg6[%add3A_73, %dma_wait3A_81] : memref<158x128xi32, #tpu.memory_space<vmem>> -> memref<1x128xi32, #tpu.memory_space<vmem>>
      %dma_wait3A_83 = tpu.memref_squeeze %dma_wait3A_82 : memref<1x128xi32, #tpu.memory_space<vmem>> -> memref<128xi32, #tpu.memory_space<vmem>>
      %dma_wait3A_84 = arith.constant 0 : i32
      %dma_wait3A_85 = arith.constant 0 : i32
      %dma_wait3A_86 = tpu.memref_slice %arg2[%arg0, %dma_wait3A_84, %dma_wait3A_85] : memref<2x10112x64xf32, #tpu.memory_space<hbm>> -> memref<1x10112x64xf32, #tpu.memory_space<hbm>>
      %dma_wait3A_87 = tpu.memref_squeeze %dma_wait3A_86 : memref<1x10112x64xf32, #tpu.memory_space<hbm>> -> memref<10112x64xf32, #tpu.memory_space<hbm>>
      %dma_wait3A_88 = arith.constant 0 : i32
      %dma_wait3A_89 = arith.constant 0 : i32
      %dma_wait3A_90 = tpu.memref_slice %dma_wait3A_87[%dma_wait3A_88, %dma_wait3A_89] : memref<10112x64xf32, #tpu.memory_space<hbm>> -> memref<10112x64xf32, #tpu.memory_space<hbm>>
      tpu.wait_indirect_dma semaphore(%arg12 : memref<!tpu.dma_semaphore, #tpu.memory_space<semaphore_mem>>) src(%dma_wait3A_90 : memref<10112x64xf32, #tpu.memory_space<hbm>>) dst(%arg9 : memref<128x64xf32, #tpu.memory_space<vmem>>)
      "tpu.region"() ({
        %run_scoped3A = tpu.sem_alloc : memref<!tpu.dma_semaphore, #tpu.memory_space<semaphore_mem>>
        %dma_start3A_92 = arith.constant 0 : i32
        %dma_start3A_93 = tpu.memref_slice %arg7[%add3A_73, %dma_start3A_92] : memref<158x128xi32, #tpu.memory_space<vmem>> -> memref<1x128xi32, #tpu.memory_space<vmem>>
        %dma_start3A_94 = tpu.memref_squeeze %dma_start3A_93 : memref<1x128xi32, #tpu.memory_space<vmem>> -> memref<128xi32, #tpu.memory_space<vmem>>
        %dma_start3A_95 = arith.constant 0 : i32
        %dma_start3A_96 = arith.constant 0 : i32
        %dma_start3A_97 = tpu.memref_slice %arg10[%dma_start3A_95, %dma_start3A_96] : memref<10112x64xf32, #tpu.memory_space<vmem_shared>> -> memref<10112x64xf32, #tpu.memory_space<vmem_shared>>
        tpu.enqueue_indirect_dma source(%arg9 : memref<128x64xf32, #tpu.memory_space<vmem>>) target(%dma_start3A_97 : memref<10112x64xf32, #tpu.memory_space<vmem_shared>>) offsets(%dma_start3A_94 : memref<128xi32, #tpu.memory_space<vmem>>) semaphore(%run_scoped3A : memref<!tpu.dma_semaphore, #tpu.memory_space<semaphore_mem>>) {add = true}
        %dma_wait3A_98 = arith.constant 0 : i32
        %dma_wait3A_99 = tpu.memref_slice %arg7[%add3A_73, %dma_wait3A_98] : memref<158x128xi32, #tpu.memory_space<vmem>> -> memref<1x128xi32, #tpu.memory_space<vmem>>
        %dma_wait3A_100 = tpu.memref_squeeze %dma_wait3A_99 : memref<1x128xi32, #tpu.memory_space<vmem>> -> memref<128xi32, #tpu.memory_space<vmem>>
        %dma_wait3A_101 = arith.constant 0 : i32
        %dma_wait3A_102 = arith.constant 0 : i32
        %dma_wait3A_103 = tpu.memref_slice %arg10[%dma_wait3A_101, %dma_wait3A_102] : memref<10112x64xf32, #tpu.memory_space<vmem_shared>> -> memref<10112x64xf32, #tpu.memory_space<vmem_shared>>
        tpu.wait_indirect_dma semaphore(%run_scoped3A : memref<!tpu.dma_semaphore, #tpu.memory_space<semaphore_mem>>) src(%arg9 : memref<128x64xf32, #tpu.memory_space<vmem>>) dst(%dma_wait3A_103 : memref<10112x64xf32, #tpu.memory_space<vmem_shared>>)
        tpu.yield
      }) : () -> ()
      %scan3A_91 = arith.constant 0 : i32
      scf.yield %scan3A_91 : i32
    }
    %scan3A_45 = arith.constant 79 : i32
    %barrier3A_46 = arith.constant 0 : index
    tpu.barrier barrier_id(%barrier3A_46)
    %mul3A_47 = arith.constant 632 : i32
    %mul3A_48 = arith.muli %mul3A_47, %arg1 : i32
    %mul3A_49 = arith.constant 632 : i32
    %mul3A_50 = arith.muli %mul3A_49, %arg1 : i32
    "tpu.region"() ({
      %run_scoped3A = tpu.sem_alloc : memref<!tpu.dma_semaphore, #tpu.memory_space<semaphore_mem>>
      %dma_start3A_51 = arith.constant 0 : i32
      %dma_start3A_52 = tpu.memref_slice %arg5[%arg0, %mul3A_50, %dma_start3A_51] : memref<2x10112x64xf32, #tpu.memory_space<hbm>> -> memref<1x632x64xf32, #tpu.memory_space<hbm>>
      %dma_start3A_53 = tpu.memref_squeeze %dma_start3A_52 : memref<1x632x64xf32, #tpu.memory_space<hbm>> -> memref<632x64xf32, #tpu.memory_space<hbm>>
      %dma_start3A_54 = arith.constant 0 : i32
      %dma_start3A_55 = tpu.memref_slice %arg10[%mul3A_48, %dma_start3A_54] : memref<10112x64xf32, #tpu.memory_space<vmem_shared>> -> memref<632x64xf32, #tpu.memory_space<vmem_shared>>
      tpu.enqueue_dma source(%dma_start3A_55 : memref<632x64xf32, #tpu.memory_space<vmem_shared>>) target(%dma_start3A_53 : memref<632x64xf32, #tpu.memory_space<hbm>>) target_semaphore(%run_scoped3A : memref<!tpu.dma_semaphore, #tpu.memory_space<semaphore_mem>>)
      %dma_wait3A = arith.constant 0 : i32
      %dma_wait3A_56 = tpu.memref_slice %arg5[%arg0, %mul3A_50, %dma_wait3A] : memref<2x10112x64xf32, #tpu.memory_space<hbm>> -> memref<1x632x64xf32, #tpu.memory_space<hbm>>
      %dma_wait3A_57 = tpu.memref_squeeze %dma_wait3A_56 : memref<1x632x64xf32, #tpu.memory_space<hbm>> -> memref<632x64xf32, #tpu.memory_space<hbm>>
      %dma_wait3A_58 = arith.constant 0 : i32
      %dma_wait3A_59 = tpu.memref_slice %arg10[%mul3A_48, %dma_wait3A_58] : memref<10112x64xf32, #tpu.memory_space<vmem_shared>> -> memref<632x64xf32, #tpu.memory_space<vmem_shared>>
      tpu.wait_dma2 semaphore(%run_scoped3A : memref<!tpu.dma_semaphore, #tpu.memory_space<semaphore_mem>>) src(%dma_wait3A_59 : memref<632x64xf32, #tpu.memory_space<vmem_shared>>) dst(%dma_wait3A_57 : memref<632x64xf32, #tpu.memory_space<hbm>>)
      tpu.yield
    }) : () -> ()
    return
  }
}

#map = affine_map<(d0, d1) -> (0, 0, 0)>
module attributes {stable_mosaic.version = 14 : i64} {
  func.func @_gather_scatter_body(%arg0: i32, %arg1: i32, %arg2: memref<2x10112x64xf32, #tpu.memory_space<hbm>>, %arg3: memref<32x79x128xi32, #tpu.memory_space<hbm>>, %arg4: memref<32x79x128xi32, #tpu.memory_space<hbm>>, %arg5: memref<2x10112x64xf32, #tpu.memory_space<hbm>>, %arg6: memref<158x128xi32, #tpu.memory_space<vmem>>, %arg7: memref<158x128xi32, #tpu.memory_space<vmem>>, %arg8: memref<128x64xf32, #tpu.memory_space<vmem>>, %arg9: memref<128x64xf32, #tpu.memory_space<vmem>>, %arg10: memref<10112x64xf32, #tpu.memory_space<vmem_shared>>, %arg11: memref<!tpu.dma_semaphore, #tpu.memory_space<semaphore_mem>>, %arg12: memref<!tpu.dma_semaphore, #tpu.memory_space<semaphore_mem>>) attributes {dimension_semantics = [#tpu.dimension_semantics<core_parallel>, #tpu.dimension_semantics<subcore_parallel>], iteration_bounds = array<i64: 2, 16>, scalar_prefetch = 0 : i64, scratch_operands = 7 : i64, tpu.core_type = #tpu.core_type<sc_vector_subcore>, window_params = [{transform_indices = #map}, {transform_indices = #map}, {transform_indices = #map}, {transform_indices = #map}]} {
    %mul3A = arith.constant 2 : i32
    %mul3A_0 = arith.muli %mul3A, %arg1 : i32
    "tpu.region"() ({
      %run_scoped3A = tpu.sem_alloc : memref<!tpu.dma_semaphore, #tpu.memory_space<semaphore_mem>>
      %dma_start3A_51 = arith.constant 0 : i32
      %dma_start3A_52 = arith.constant 0 : i32
      %dma_start3A_53 = tpu.memref_slice %arg6[%dma_start3A_51, %dma_start3A_52] : memref<158x128xi32, #tpu.memory_space<vmem>> -> memref<79x128xi32, #tpu.memory_space<vmem>>
      %dma_start3A_54 = arith.constant 0 : i32
      %dma_start3A_55 = arith.constant 0 : i32
      %dma_start3A_56 = tpu.memref_slice %arg3[%mul3A_0, %dma_start3A_54, %dma_start3A_55] : memref<32x79x128xi32, #tpu.memory_space<hbm>> -> memref<1x79x128xi32, #tpu.memory_space<hbm>>
      %dma_start3A_57 = tpu.memref_squeeze %dma_start3A_56 : memref<1x79x128xi32, #tpu.memory_space<hbm>> -> memref<79x128xi32, #tpu.memory_space<hbm>>
      %dma_start3A_58 = arith.constant 0 : i32
      %dma_start3A_59 = arith.constant 0 : i32
      %dma_start3A_60 = tpu.memref_slice %arg6[%dma_start3A_58, %dma_start3A_59] : memref<158x128xi32, #tpu.memory_space<vmem>> -> memref<79x128xi32, #tpu.memory_space<vmem>>
      %dma_start3A_61 = arith.constant 0 : i32
      %dma_start3A_62 = arith.constant 0 : i32
      %dma_start3A_63 = tpu.memref_slice %arg3[%mul3A_0, %dma_start3A_61, %dma_start3A_62] : memref<32x79x128xi32, #tpu.memory_space<hbm>> -> memref<1x79x128xi32, #tpu.memory_space<hbm>>
      %dma_start3A_64 = tpu.memref_squeeze %dma_start3A_63 : memref<1x79x128xi32, #tpu.memory_space<hbm>> -> memref<79x128xi32, #tpu.memory_space<hbm>>
      tpu.enqueue_dma source(%dma_start3A_64 : memref<79x128xi32, #tpu.memory_space<hbm>>) target(%dma_start3A_60 : memref<79x128xi32, #tpu.memory_space<vmem>>) target_semaphore(%run_scoped3A : memref<!tpu.dma_semaphore, #tpu.memory_space<semaphore_mem>>)
      %dma_wait3A = arith.constant 0 : i32
      %dma_wait3A_65 = arith.constant 0 : i32
      %dma_wait3A_66 = tpu.memref_slice %arg6[%dma_wait3A, %dma_wait3A_65] : memref<158x128xi32, #tpu.memory_space<vmem>> -> memref<79x128xi32, #tpu.memory_space<vmem>>
      %dma_wait3A_67 = arith.constant 0 : i32
      %dma_wait3A_68 = arith.constant 0 : i32
      %dma_wait3A_69 = tpu.memref_slice %arg3[%mul3A_0, %dma_wait3A_67, %dma_wait3A_68] : memref<32x79x128xi32, #tpu.memory_space<hbm>> -> memref<1x79x128xi32, #tpu.memory_space<hbm>>
      %dma_wait3A_70 = tpu.memref_squeeze %dma_wait3A_69 : memref<1x79x128xi32, #tpu.memory_space<hbm>> -> memref<79x128xi32, #tpu.memory_space<hbm>>
      %dma_wait3A_71 = arith.constant 0 : i32
      %dma_wait3A_72 = arith.constant 0 : i32
      %dma_wait3A_73 = tpu.memref_slice %arg6[%dma_wait3A_71, %dma_wait3A_72] : memref<158x128xi32, #tpu.memory_space<vmem>> -> memref<79x128xi32, #tpu.memory_space<vmem>>
      %dma_wait3A_74 = arith.constant 0 : i32
      %dma_wait3A_75 = arith.constant 0 : i32
      %dma_wait3A_76 = tpu.memref_slice %arg3[%mul3A_0, %dma_wait3A_74, %dma_wait3A_75] : memref<32x79x128xi32, #tpu.memory_space<hbm>> -> memref<1x79x128xi32, #tpu.memory_space<hbm>>
      %dma_wait3A_77 = tpu.memref_squeeze %dma_wait3A_76 : memref<1x79x128xi32, #tpu.memory_space<hbm>> -> memref<79x128xi32, #tpu.memory_space<hbm>>
      tpu.wait_dma2 semaphore(%run_scoped3A : memref<!tpu.dma_semaphore, #tpu.memory_space<semaphore_mem>>) src(%dma_wait3A_77 : memref<79x128xi32, #tpu.memory_space<hbm>>) dst(%dma_wait3A_73 : memref<79x128xi32, #tpu.memory_space<vmem>>)
      tpu.yield
    }) : () -> ()
    %mul3A_1 = arith.constant 2 : i32
    %mul3A_2 = arith.muli %mul3A_1, %arg1 : i32
    %add3A = arith.constant 1 : i32
    %add3A_3 = arith.addi %mul3A_2, %add3A : i32
    "tpu.region"() ({
      %run_scoped3A = tpu.sem_alloc : memref<!tpu.dma_semaphore, #tpu.memory_space<semaphore_mem>>
      %dma_start3A_51 = arith.constant 79 : i32
      %dma_start3A_52 = arith.constant 0 : i32
      %dma_start3A_53 = tpu.memref_slice %arg6[%dma_start3A_51, %dma_start3A_52] : memref<158x128xi32, #tpu.memory_space<vmem>> -> memref<79x128xi32, #tpu.memory_space<vmem>>
      %dma_start3A_54 = arith.constant 0 : i32
      %dma_start3A_55 = arith.constant 0 : i32
      %dma_start3A_56 = tpu.memref_slice %arg3[%add3A_3, %dma_start3A_54, %dma_start3A_55] : memref<32x79x128xi32, #tpu.memory_space<hbm>> -> memref<1x79x128xi32, #tpu.memory_space<hbm>>
      %dma_start3A_57 = tpu.memref_squeeze %dma_start3A_56 : memref<1x79x128xi32, #tpu.memory_space<hbm>> -> memref<79x128xi32, #tpu.memory_space<hbm>>
      %dma_start3A_58 = arith.constant 79 : i32
      %dma_start3A_59 = arith.constant 0 : i32
      %dma_start3A_60 = tpu.memref_slice %arg6[%dma_start3A_58, %dma_start3A_59] : memref<158x128xi32, #tpu.memory_space<vmem>> -> memref<79x128xi32, #tpu.memory_space<vmem>>
      %dma_start3A_61 = arith.constant 0 : i32
      %dma_start3A_62 = arith.constant 0 : i32
      %dma_start3A_63 = tpu.memref_slice %arg3[%add3A_3, %dma_start3A_61, %dma_start3A_62] : memref<32x79x128xi32, #tpu.memory_space<hbm>> -> memref<1x79x128xi32, #tpu.memory_space<hbm>>
      %dma_start3A_64 = tpu.memref_squeeze %dma_start3A_63 : memref<1x79x128xi32, #tpu.memory_space<hbm>> -> memref<79x128xi32, #tpu.memory_space<hbm>>
      tpu.enqueue_dma source(%dma_start3A_64 : memref<79x128xi32, #tpu.memory_space<hbm>>) target(%dma_start3A_60 : memref<79x128xi32, #tpu.memory_space<vmem>>) target_semaphore(%run_scoped3A : memref<!tpu.dma_semaphore, #tpu.memory_space<semaphore_mem>>)
      %dma_wait3A = arith.constant 79 : i32
      %dma_wait3A_65 = arith.constant 0 : i32
      %dma_wait3A_66 = tpu.memref_slice %arg6[%dma_wait3A, %dma_wait3A_65] : memref<158x128xi32, #tpu.memory_space<vmem>> -> memref<79x128xi32, #tpu.memory_space<vmem>>
      %dma_wait3A_67 = arith.constant 0 : i32
      %dma_wait3A_68 = arith.constant 0 : i32
      %dma_wait3A_69 = tpu.memref_slice %arg3[%add3A_3, %dma_wait3A_67, %dma_wait3A_68] : memref<32x79x128xi32, #tpu.memory_space<hbm>> -> memref<1x79x128xi32, #tpu.memory_space<hbm>>
      %dma_wait3A_70 = tpu.memref_squeeze %dma_wait3A_69 : memref<1x79x128xi32, #tpu.memory_space<hbm>> -> memref<79x128xi32, #tpu.memory_space<hbm>>
      %dma_wait3A_71 = arith.constant 79 : i32
      %dma_wait3A_72 = arith.constant 0 : i32
      %dma_wait3A_73 = tpu.memref_slice %arg6[%dma_wait3A_71, %dma_wait3A_72] : memref<158x128xi32, #tpu.memory_space<vmem>> -> memref<79x128xi32, #tpu.memory_space<vmem>>
      %dma_wait3A_74 = arith.constant 0 : i32
      %dma_wait3A_75 = arith.constant 0 : i32
      %dma_wait3A_76 = tpu.memref_slice %arg3[%add3A_3, %dma_wait3A_74, %dma_wait3A_75] : memref<32x79x128xi32, #tpu.memory_space<hbm>> -> memref<1x79x128xi32, #tpu.memory_space<hbm>>
      %dma_wait3A_77 = tpu.memref_squeeze %dma_wait3A_76 : memref<1x79x128xi32, #tpu.memory_space<hbm>> -> memref<79x128xi32, #tpu.memory_space<hbm>>
      tpu.wait_dma2 semaphore(%run_scoped3A : memref<!tpu.dma_semaphore, #tpu.memory_space<semaphore_mem>>) src(%dma_wait3A_77 : memref<79x128xi32, #tpu.memory_space<hbm>>) dst(%dma_wait3A_73 : memref<79x128xi32, #tpu.memory_space<vmem>>)
      tpu.yield
    }) : () -> ()
    %mul3A_4 = arith.constant 2 : i32
    %mul3A_5 = arith.muli %mul3A_4, %arg1 : i32
    "tpu.region"() ({
      %run_scoped3A = tpu.sem_alloc : memref<!tpu.dma_semaphore, #tpu.memory_space<semaphore_mem>>
      %dma_start3A_51 = arith.constant 0 : i32
      %dma_start3A_52 = arith.constant 0 : i32
      %dma_start3A_53 = tpu.memref_slice %arg7[%dma_start3A_51, %dma_start3A_52] : memref<158x128xi32, #tpu.memory_space<vmem>> -> memref<79x128xi32, #tpu.memory_space<vmem>>
      %dma_start3A_54 = arith.constant 0 : i32
      %dma_start3A_55 = arith.constant 0 : i32
      %dma_start3A_56 = tpu.memref_slice %arg4[%mul3A_5, %dma_start3A_54, %dma_start3A_55] : memref<32x79x128xi32, #tpu.memory_space<hbm>> -> memref<1x79x128xi32, #tpu.memory_space<hbm>>
      %dma_start3A_57 = tpu.memref_squeeze %dma_start3A_56 : memref<1x79x128xi32, #tpu.memory_space<hbm>> -> memref<79x128xi32, #tpu.memory_space<hbm>>
      %dma_start3A_58 = arith.constant 0 : i32
      %dma_start3A_59 = arith.constant 0 : i32
      %dma_start3A_60 = tpu.memref_slice %arg7[%dma_start3A_58, %dma_start3A_59] : memref<158x128xi32, #tpu.memory_space<vmem>> -> memref<79x128xi32, #tpu.memory_space<vmem>>
      %dma_start3A_61 = arith.constant 0 : i32
      %dma_start3A_62 = arith.constant 0 : i32
      %dma_start3A_63 = tpu.memref_slice %arg4[%mul3A_5, %dma_start3A_61, %dma_start3A_62] : memref<32x79x128xi32, #tpu.memory_space<hbm>> -> memref<1x79x128xi32, #tpu.memory_space<hbm>>
      %dma_start3A_64 = tpu.memref_squeeze %dma_start3A_63 : memref<1x79x128xi32, #tpu.memory_space<hbm>> -> memref<79x128xi32, #tpu.memory_space<hbm>>
      tpu.enqueue_dma source(%dma_start3A_64 : memref<79x128xi32, #tpu.memory_space<hbm>>) target(%dma_start3A_60 : memref<79x128xi32, #tpu.memory_space<vmem>>) target_semaphore(%run_scoped3A : memref<!tpu.dma_semaphore, #tpu.memory_space<semaphore_mem>>)
      %dma_wait3A = arith.constant 0 : i32
      %dma_wait3A_65 = arith.constant 0 : i32
      %dma_wait3A_66 = tpu.memref_slice %arg7[%dma_wait3A, %dma_wait3A_65] : memref<158x128xi32, #tpu.memory_space<vmem>> -> memref<79x128xi32, #tpu.memory_space<vmem>>
      %dma_wait3A_67 = arith.constant 0 : i32
      %dma_wait3A_68 = arith.constant 0 : i32
      %dma_wait3A_69 = tpu.memref_slice %arg4[%mul3A_5, %dma_wait3A_67, %dma_wait3A_68] : memref<32x79x128xi32, #tpu.memory_space<hbm>> -> memref<1x79x128xi32, #tpu.memory_space<hbm>>
      %dma_wait3A_70 = tpu.memref_squeeze %dma_wait3A_69 : memref<1x79x128xi32, #tpu.memory_space<hbm>> -> memref<79x128xi32, #tpu.memory_space<hbm>>
      %dma_wait3A_71 = arith.constant 0 : i32
      %dma_wait3A_72 = arith.constant 0 : i32
      %dma_wait3A_73 = tpu.memref_slice %arg7[%dma_wait3A_71, %dma_wait3A_72] : memref<158x128xi32, #tpu.memory_space<vmem>> -> memref<79x128xi32, #tpu.memory_space<vmem>>
      %dma_wait3A_74 = arith.constant 0 : i32
      %dma_wait3A_75 = arith.constant 0 : i32
      %dma_wait3A_76 = tpu.memref_slice %arg4[%mul3A_5, %dma_wait3A_74, %dma_wait3A_75] : memref<32x79x128xi32, #tpu.memory_space<hbm>> -> memref<1x79x128xi32, #tpu.memory_space<hbm>>
      %dma_wait3A_77 = tpu.memref_squeeze %dma_wait3A_76 : memref<1x79x128xi32, #tpu.memory_space<hbm>> -> memref<79x128xi32, #tpu.memory_space<hbm>>
      tpu.wait_dma2 semaphore(%run_scoped3A : memref<!tpu.dma_semaphore, #tpu.memory_space<semaphore_mem>>) src(%dma_wait3A_77 : memref<79x128xi32, #tpu.memory_space<hbm>>) dst(%dma_wait3A_73 : memref<79x128xi32, #tpu.memory_space<vmem>>)
      tpu.yield
    }) : () -> ()
    %mul3A_6 = arith.constant 2 : i32
    %mul3A_7 = arith.muli %mul3A_6, %arg1 : i32
    %add3A_8 = arith.constant 1 : i32
    %add3A_9 = arith.addi %mul3A_7, %add3A_8 : i32
    "tpu.region"() ({
      %run_scoped3A = tpu.sem_alloc : memref<!tpu.dma_semaphore, #tpu.memory_space<semaphore_mem>>
      %dma_start3A_51 = arith.constant 79 : i32
      %dma_start3A_52 = arith.constant 0 : i32
      %dma_start3A_53 = tpu.memref_slice %arg7[%dma_start3A_51, %dma_start3A_52] : memref<158x128xi32, #tpu.memory_space<vmem>> -> memref<79x128xi32, #tpu.memory_space<vmem>>
      %dma_start3A_54 = arith.constant 0 : i32
      %dma_start3A_55 = arith.constant 0 : i32
      %dma_start3A_56 = tpu.memref_slice %arg4[%add3A_9, %dma_start3A_54, %dma_start3A_55] : memref<32x79x128xi32, #tpu.memory_space<hbm>> -> memref<1x79x128xi32, #tpu.memory_space<hbm>>
      %dma_start3A_57 = tpu.memref_squeeze %dma_start3A_56 : memref<1x79x128xi32, #tpu.memory_space<hbm>> -> memref<79x128xi32, #tpu.memory_space<hbm>>
      %dma_start3A_58 = arith.constant 79 : i32
      %dma_start3A_59 = arith.constant 0 : i32
      %dma_start3A_60 = tpu.memref_slice %arg7[%dma_start3A_58, %dma_start3A_59] : memref<158x128xi32, #tpu.memory_space<vmem>> -> memref<79x128xi32, #tpu.memory_space<vmem>>
      %dma_start3A_61 = arith.constant 0 : i32
      %dma_start3A_62 = arith.constant 0 : i32
      %dma_start3A_63 = tpu.memref_slice %arg4[%add3A_9, %dma_start3A_61, %dma_start3A_62] : memref<32x79x128xi32, #tpu.memory_space<hbm>> -> memref<1x79x128xi32, #tpu.memory_space<hbm>>
      %dma_start3A_64 = tpu.memref_squeeze %dma_start3A_63 : memref<1x79x128xi32, #tpu.memory_space<hbm>> -> memref<79x128xi32, #tpu.memory_space<hbm>>
      tpu.enqueue_dma source(%dma_start3A_64 : memref<79x128xi32, #tpu.memory_space<hbm>>) target(%dma_start3A_60 : memref<79x128xi32, #tpu.memory_space<vmem>>) target_semaphore(%run_scoped3A : memref<!tpu.dma_semaphore, #tpu.memory_space<semaphore_mem>>)
      %dma_wait3A = arith.constant 79 : i32
      %dma_wait3A_65 = arith.constant 0 : i32
      %dma_wait3A_66 = tpu.memref_slice %arg7[%dma_wait3A, %dma_wait3A_65] : memref<158x128xi32, #tpu.memory_space<vmem>> -> memref<79x128xi32, #tpu.memory_space<vmem>>
      %dma_wait3A_67 = arith.constant 0 : i32
      %dma_wait3A_68 = arith.constant 0 : i32
      %dma_wait3A_69 = tpu.memref_slice %arg4[%add3A_9, %dma_wait3A_67, %dma_wait3A_68] : memref<32x79x128xi32, #tpu.memory_space<hbm>> -> memref<1x79x128xi32, #tpu.memory_space<hbm>>
      %dma_wait3A_70 = tpu.memref_squeeze %dma_wait3A_69 : memref<1x79x128xi32, #tpu.memory_space<hbm>> -> memref<79x128xi32, #tpu.memory_space<hbm>>
      %dma_wait3A_71 = arith.constant 79 : i32
      %dma_wait3A_72 = arith.constant 0 : i32
      %dma_wait3A_73 = tpu.memref_slice %arg7[%dma_wait3A_71, %dma_wait3A_72] : memref<158x128xi32, #tpu.memory_space<vmem>> -> memref<79x128xi32, #tpu.memory_space<vmem>>
      %dma_wait3A_74 = arith.constant 0 : i32
      %dma_wait3A_75 = arith.constant 0 : i32
      %dma_wait3A_76 = tpu.memref_slice %arg4[%add3A_9, %dma_wait3A_74, %dma_wait3A_75] : memref<32x79x128xi32, #tpu.memory_space<hbm>> -> memref<1x79x128xi32, #tpu.memory_space<hbm>>
      %dma_wait3A_77 = tpu.memref_squeeze %dma_wait3A_76 : memref<1x79x128xi32, #tpu.memory_space<hbm>> -> memref<79x128xi32, #tpu.memory_space<hbm>>
      tpu.wait_dma2 semaphore(%run_scoped3A : memref<!tpu.dma_semaphore, #tpu.memory_space<semaphore_mem>>) src(%dma_wait3A_77 : memref<79x128xi32, #tpu.memory_space<hbm>>) dst(%dma_wait3A_73 : memref<79x128xi32, #tpu.memory_space<vmem>>)
      tpu.yield
    }) : () -> ()
    %broadcast_in_dim3A = arith.constant 0.000000e+00 : f32
    %broadcast_in_dim3A_10 = vector.broadcast %broadcast_in_dim3A : f32 to vector<16xf32>
    %scan3A = arith.constant 0 : i32
    %scan3A_11 = arith.constant 0 : i32
    %scan3A_12 = arith.constant 512 : i32
    %scan3A_13 = arith.addi %scan3A_11, %scan3A_12 : i32
    %scan3A_14 = arith.constant 1 : i32
    %scan3A_15 = scf.for %scan3A_51 = %scan3A_11 to %scan3A_13 step %scan3A_14 iter_args(%scan3A_52 = %scan3A) -> (i32)  : i32 {
      %jit3A = arith.constant 4 : i32
      %div3A = arith.divsi %scan3A_51, %jit3A : i32
      %sign3A = arith.constant 0 : i32
      %sign3A_53 = arith.cmpi sgt, %scan3A_51, %sign3A : i32
      %sign3A_54 = arith.extui %sign3A_53 : i1 to i32
      %sign3A_55 = arith.constant 0 : i32
      %sign3A_56 = arith.cmpi slt, %scan3A_51, %sign3A_55 : i32
      %sign3A_57 = arith.extui %sign3A_56 : i1 to i32
      %sign3A_58 = arith.subi %sign3A_54, %sign3A_57 : i32
      %sign3A_59 = arith.constant 0 : i32
      %sign3A_60 = arith.cmpi sgt, %jit3A, %sign3A_59 : i32
      %sign3A_61 = arith.extui %sign3A_60 : i1 to i32
      %sign3A_62 = arith.constant 0 : i32
      %sign3A_63 = arith.cmpi slt, %jit3A, %sign3A_62 : i32
      %sign3A_64 = arith.extui %sign3A_63 : i1 to i32
      %sign3A_65 = arith.subi %sign3A_61, %sign3A_64 : i32
      %ne3A = arith.cmpi ne, %sign3A_58, %sign3A_65 : i32
      %rem3A = arith.remsi %scan3A_51, %jit3A : i32
      %ne3A_66 = arith.constant 0 : i32
      %ne3A_67 = arith.cmpi ne, %rem3A, %ne3A_66 : i32
      %and3A = arith.andi %ne3A, %ne3A_67 : i1
      %sub3A = arith.constant 1 : i32
      %sub3A_68 = arith.subi %div3A, %sub3A : i32
      %select_n3A = arith.select %and3A, %sub3A_68, %div3A : i32
      %jit3A_69 = arith.constant 4 : i32
      %eq3A = arith.constant 0 : i32
      %eq3A_70 = arith.cmpi eq, %jit3A_69, %eq3A : i32
      %jit3A_71 = arith.constant 1 : i32
      %select_n3A_72 = arith.select %eq3A_70, %jit3A_71, %jit3A_69 : i32
      %rem3A_73 = arith.remsi %scan3A_51, %select_n3A_72 : i32
      %ne3A_74 = arith.constant 0 : i32
      %ne3A_75 = arith.cmpi ne, %rem3A_73, %ne3A_74 : i32
      %lt3A = arith.constant 0 : i32
      %lt3A_76 = arith.cmpi slt, %rem3A_73, %lt3A : i32
      %lt3A_77 = arith.constant 0 : i32
      %lt3A_78 = arith.cmpi slt, %select_n3A_72, %lt3A_77 : i32
      %ne3A_79 = arith.xori %lt3A_76, %lt3A_78 : i1
      %and3A_80 = arith.andi %ne3A_79, %ne3A_75 : i1
      %add3A_81 = arith.addi %rem3A_73, %select_n3A_72 : i32
      %select_n3A_82 = arith.select %and3A_80, %add3A_81, %rem3A_73 : i32
      %mul3A_83 = arith.constant 16 : i32
      %mul3A_84 = arith.muli %select_n3A_82, %mul3A_83 : i32
      %swap3A = arith.index_cast %select_n3A : i32 to index
      %swap3A_85 = arith.index_cast %mul3A_84 : i32 to index
      %swap3A_86 = tpu.vector_load %arg8[%swap3A, %swap3A_85] {strides = array<i32>} : memref<128x64xf32, #tpu.memory_space<vmem>>, vector<1x16xf32>,
      %swap3A_87 = vector.shape_cast %swap3A_86 : vector<1x16xf32> to vector<16xf32>
      %swap3A_88 = vector.shape_cast %broadcast_in_dim3A_10 : vector<16xf32> to vector<1x16xf32>
      tpu.vector_store %arg8[%swap3A, %swap3A_85], %swap3A_88 {strides = array<i32>} : memref<128x64xf32, #tpu.memory_space<vmem>>, vector<1x16xf32>,
      %scan3A_89 = arith.constant 0 : i32
      scf.yield %scan3A_89 : i32
    }
    %scan3A_16 = arith.constant 512 : i32
    %mul3A_17 = arith.constant 632 : i32
    %mul3A_18 = arith.muli %mul3A_17, %arg1 : i32
    %add3A_19 = arith.constant 0 : i32
    %add3A_20 = arith.addi %mul3A_18, %add3A_19 : i32
    "tpu.region"() ({
      %run_scoped3A = tpu.sem_alloc : memref<!tpu.dma_semaphore, #tpu.memory_space<semaphore_mem>>
      %dma_start3A_51 = arith.constant 0 : i32
      %dma_start3A_52 = tpu.memref_slice %arg10[%add3A_20, %dma_start3A_51] : memref<10112x64xf32, #tpu.memory_space<vmem_shared>> -> memref<128x64xf32, #tpu.memory_space<vmem_shared>>
      %dma_start3A_53 = arith.constant 0 : i32
      %dma_start3A_54 = tpu.memref_slice %arg10[%add3A_20, %dma_start3A_53] : memref<10112x64xf32, #tpu.memory_space<vmem_shared>> -> memref<128x64xf32, #tpu.memory_space<vmem_shared>>
      tpu.enqueue_dma source(%arg8 : memref<128x64xf32, #tpu.memory_space<vmem>>) target(%dma_start3A_54 : memref<128x64xf32, #tpu.memory_space<vmem_shared>>) target_semaphore(%run_scoped3A : memref<!tpu.dma_semaphore, #tpu.memory_space<semaphore_mem>>)
      %dma_wait3A = arith.constant 0 : i32
      %dma_wait3A_55 = tpu.memref_slice %arg10[%add3A_20, %dma_wait3A] : memref<10112x64xf32, #tpu.memory_space<vmem_shared>> -> memref<128x64xf32, #tpu.memory_space<vmem_shared>>
      %dma_wait3A_56 = arith.constant 0 : i32
      %dma_wait3A_57 = tpu.memref_slice %arg10[%add3A_20, %dma_wait3A_56] : memref<10112x64xf32, #tpu.memory_space<vmem_shared>> -> memref<128x64xf32, #tpu.memory_space<vmem_shared>>
      tpu.wait_dma2 semaphore(%run_scoped3A : memref<!tpu.dma_semaphore, #tpu.memory_space<semaphore_mem>>) src(%arg8 : memref<128x64xf32, #tpu.memory_space<vmem>>) dst(%dma_wait3A_57 : memref<128x64xf32, #tpu.memory_space<vmem_shared>>)
      tpu.yield
    }) : () -> ()
    %add3A_21 = arith.constant 128 : i32
    %add3A_22 = arith.addi %mul3A_18, %add3A_21 : i32
    "tpu.region"() ({
      %run_scoped3A = tpu.sem_alloc : memref<!tpu.dma_semaphore, #tpu.memory_space<semaphore_mem>>
      %dma_start3A_51 = arith.constant 0 : i32
      %dma_start3A_52 = tpu.memref_slice %arg10[%add3A_22, %dma_start3A_51] : memref<10112x64xf32, #tpu.memory_space<vmem_shared>> -> memref<128x64xf32, #tpu.memory_space<vmem_shared>>
      %dma_start3A_53 = arith.constant 0 : i32
      %dma_start3A_54 = tpu.memref_slice %arg10[%add3A_22, %dma_start3A_53] : memref<10112x64xf32, #tpu.memory_space<vmem_shared>> -> memref<128x64xf32, #tpu.memory_space<vmem_shared>>
      tpu.enqueue_dma source(%arg8 : memref<128x64xf32, #tpu.memory_space<vmem>>) target(%dma_start3A_54 : memref<128x64xf32, #tpu.memory_space<vmem_shared>>) target_semaphore(%run_scoped3A : memref<!tpu.dma_semaphore, #tpu.memory_space<semaphore_mem>>)
      %dma_wait3A = arith.constant 0 : i32
      %dma_wait3A_55 = tpu.memref_slice %arg10[%add3A_22, %dma_wait3A] : memref<10112x64xf32, #tpu.memory_space<vmem_shared>> -> memref<128x64xf32, #tpu.memory_space<vmem_shared>>
      %dma_wait3A_56 = arith.constant 0 : i32
      %dma_wait3A_57 = tpu.memref_slice %arg10[%add3A_22, %dma_wait3A_56] : memref<10112x64xf32, #tpu.memory_space<vmem_shared>> -> memref<128x64xf32, #tpu.memory_space<vmem_shared>>
      tpu.wait_dma2 semaphore(%run_scoped3A : memref<!tpu.dma_semaphore, #tpu.memory_space<semaphore_mem>>) src(%arg8 : memref<128x64xf32, #tpu.memory_space<vmem>>) dst(%dma_wait3A_57 : memref<128x64xf32, #tpu.memory_space<vmem_shared>>)
      tpu.yield
    }) : () -> ()
    %add3A_23 = arith.constant 256 : i32
    %add3A_24 = arith.addi %mul3A_18, %add3A_23 : i32
    "tpu.region"() ({
      %run_scoped3A = tpu.sem_alloc : memref<!tpu.dma_semaphore, #tpu.memory_space<semaphore_mem>>
      %dma_start3A_51 = arith.constant 0 : i32
      %dma_start3A_52 = tpu.memref_slice %arg10[%add3A_24, %dma_start3A_51] : memref<10112x64xf32, #tpu.memory_space<vmem_shared>> -> memref<128x64xf32, #tpu.memory_space<vmem_shared>>
      %dma_start3A_53 = arith.constant 0 : i32
      %dma_start3A_54 = tpu.memref_slice %arg10[%add3A_24, %dma_start3A_53] : memref<10112x64xf32, #tpu.memory_space<vmem_shared>> -> memref<128x64xf32, #tpu.memory_space<vmem_shared>>
      tpu.enqueue_dma source(%arg8 : memref<128x64xf32, #tpu.memory_space<vmem>>) target(%dma_start3A_54 : memref<128x64xf32, #tpu.memory_space<vmem_shared>>) target_semaphore(%run_scoped3A : memref<!tpu.dma_semaphore, #tpu.memory_space<semaphore_mem>>)
      %dma_wait3A = arith.constant 0 : i32
      %dma_wait3A_55 = tpu.memref_slice %arg10[%add3A_24, %dma_wait3A] : memref<10112x64xf32, #tpu.memory_space<vmem_shared>> -> memref<128x64xf32, #tpu.memory_space<vmem_shared>>
      %dma_wait3A_56 = arith.constant 0 : i32
      %dma_wait3A_57 = tpu.memref_slice %arg10[%add3A_24, %dma_wait3A_56] : memref<10112x64xf32, #tpu.memory_space<vmem_shared>> -> memref<128x64xf32, #tpu.memory_space<vmem_shared>>
      tpu.wait_dma2 semaphore(%run_scoped3A : memref<!tpu.dma_semaphore, #tpu.memory_space<semaphore_mem>>) src(%arg8 : memref<128x64xf32, #tpu.memory_space<vmem>>) dst(%dma_wait3A_57 : memref<128x64xf32, #tpu.memory_space<vmem_shared>>)
      tpu.yield
    }) : () -> ()
    %add3A_25 = arith.constant 384 : i32
    %add3A_26 = arith.addi %mul3A_18, %add3A_25 : i32
    "tpu.region"() ({
      %run_scoped3A = tpu.sem_alloc : memref<!tpu.dma_semaphore, #tpu.memory_space<semaphore_mem>>
      %dma_start3A_51 = arith.constant 0 : i32
      %dma_start3A_52 = tpu.memref_slice %arg10[%add3A_26, %dma_start3A_51] : memref<10112x64xf32, #tpu.memory_space<vmem_shared>> -> memref<128x64xf32, #tpu.memory_space<vmem_shared>>
      %dma_start3A_53 = arith.constant 0 : i32
      %dma_start3A_54 = tpu.memref_slice %arg10[%add3A_26, %dma_start3A_53] : memref<10112x64xf32, #tpu.memory_space<vmem_shared>> -> memref<128x64xf32, #tpu.memory_space<vmem_shared>>
      tpu.enqueue_dma source(%arg8 : memref<128x64xf32, #tpu.memory_space<vmem>>) target(%dma_start3A_54 : memref<128x64xf32, #tpu.memory_space<vmem_shared>>) target_semaphore(%run_scoped3A : memref<!tpu.dma_semaphore, #tpu.memory_space<semaphore_mem>>)
      %dma_wait3A = arith.constant 0 : i32
      %dma_wait3A_55 = tpu.memref_slice %arg10[%add3A_26, %dma_wait3A] : memref<10112x64xf32, #tpu.memory_space<vmem_shared>> -> memref<128x64xf32, #tpu.memory_space<vmem_shared>>
      %dma_wait3A_56 = arith.constant 0 : i32
      %dma_wait3A_57 = tpu.memref_slice %arg10[%add3A_26, %dma_wait3A_56] : memref<10112x64xf32, #tpu.memory_space<vmem_shared>> -> memref<128x64xf32, #tpu.memory_space<vmem_shared>>
      tpu.wait_dma2 semaphore(%run_scoped3A : memref<!tpu.dma_semaphore, #tpu.memory_space<semaphore_mem>>) src(%arg8 : memref<128x64xf32, #tpu.memory_space<vmem>>) dst(%dma_wait3A_57 : memref<128x64xf32, #tpu.memory_space<vmem_shared>>)
      tpu.yield
    }) : () -> ()
    %add3A_27 = arith.constant 512 : i32
    %add3A_28 = arith.addi %mul3A_18, %add3A_27 : i32
    "tpu.region"() ({
      %run_scoped3A = tpu.sem_alloc : memref<!tpu.dma_semaphore, #tpu.memory_space<semaphore_mem>>
      %dma_start3A_51 = arith.constant 0 : i32
      %dma_start3A_52 = arith.constant 0 : i32
      %dma_start3A_53 = tpu.memref_slice %arg8[%dma_start3A_51, %dma_start3A_52] : memref<128x64xf32, #tpu.memory_space<vmem>> -> memref<120x64xf32, #tpu.memory_space<vmem>>
      %dma_start3A_54 = arith.constant 0 : i32
      %dma_start3A_55 = tpu.memref_slice %arg10[%add3A_28, %dma_start3A_54] : memref<10112x64xf32, #tpu.memory_space<vmem_shared>> -> memref<120x64xf32, #tpu.memory_space<vmem_shared>>
      %dma_start3A_56 = arith.constant 0 : i32
      %dma_start3A_57 = tpu.memref_slice %arg10[%add3A_28, %dma_start3A_56] : memref<10112x64xf32, #tpu.memory_space<vmem_shared>> -> memref<120x64xf32, #tpu.memory_space<vmem_shared>>
      %dma_start3A_58 = arith.constant 0 : i32
      %dma_start3A_59 = arith.constant 0 : i32
      %dma_start3A_60 = tpu.memref_slice %arg8[%dma_start3A_58, %dma_start3A_59] : memref<128x64xf32, #tpu.memory_space<vmem>> -> memref<120x64xf32, #tpu.memory_space<vmem>>
      tpu.enqueue_dma source(%dma_start3A_60 : memref<120x64xf32, #tpu.memory_space<vmem>>) target(%dma_start3A_57 : memref<120x64xf32, #tpu.memory_space<vmem_shared>>) target_semaphore(%run_scoped3A : memref<!tpu.dma_semaphore, #tpu.memory_space<semaphore_mem>>)
      %dma_wait3A = arith.constant 0 : i32
      %dma_wait3A_61 = arith.constant 0 : i32
      %dma_wait3A_62 = tpu.memref_slice %arg8[%dma_wait3A, %dma_wait3A_61] : memref<128x64xf32, #tpu.memory_space<vmem>> -> memref<120x64xf32, #tpu.memory_space<vmem>>
      %dma_wait3A_63 = arith.constant 0 : i32
      %dma_wait3A_64 = tpu.memref_slice %arg10[%add3A_28, %dma_wait3A_63] : memref<10112x64xf32, #tpu.memory_space<vmem_shared>> -> memref<120x64xf32, #tpu.memory_space<vmem_shared>>
      %dma_wait3A_65 = arith.constant 0 : i32
      %dma_wait3A_66 = tpu.memref_slice %arg10[%add3A_28, %dma_wait3A_65] : memref<10112x64xf32, #tpu.memory_space<vmem_shared>> -> memref<120x64xf32, #tpu.memory_space<vmem_shared>>
      %dma_wait3A_67 = arith.constant 0 : i32
      %dma_wait3A_68 = arith.constant 0 : i32
      %dma_wait3A_69 = tpu.memref_slice %arg8[%dma_wait3A_67, %dma_wait3A_68] : memref<128x64xf32, #tpu.memory_space<vmem>> -> memref<120x64xf32, #tpu.memory_space<vmem>>
      tpu.wait_dma2 semaphore(%run_scoped3A : memref<!tpu.dma_semaphore, #tpu.memory_space<semaphore_mem>>) src(%dma_wait3A_69 : memref<120x64xf32, #tpu.memory_space<vmem>>) dst(%dma_wait3A_66 : memref<120x64xf32, #tpu.memory_space<vmem_shared>>)
      tpu.yield
    }) : () -> ()
    %barrier3A = arith.constant 0 : index
    tpu.barrier barrier_id(%barrier3A)
    %dma_start3A = arith.constant 0 : i32
    %dma_start3A_29 = arith.constant 0 : i32
    %dma_start3A_30 = tpu.memref_slice %arg6[%dma_start3A, %dma_start3A_29] : memref<158x128xi32, #tpu.memory_space<vmem>> -> memref<1x128xi32, #tpu.memory_space<vmem>>
    %dma_start3A_31 = tpu.memref_squeeze %dma_start3A_30 : memref<1x128xi32, #tpu.memory_space<vmem>> -> memref<128xi32, #tpu.memory_space<vmem>>
    %dma_start3A_32 = arith.constant 0 : i32
    %dma_start3A_33 = arith.constant 0 : i32
    %dma_start3A_34 = tpu.memref_slice %arg2[%arg0, %dma_start3A_32, %dma_start3A_33] : memref<2x10112x64xf32, #tpu.memory_space<hbm>> -> memref<1x10112x64xf32, #tpu.memory_space<hbm>>
    %dma_start3A_35 = tpu.memref_squeeze %dma_start3A_34 : memref<1x10112x64xf32, #tpu.memory_space<hbm>> -> memref<10112x64xf32, #tpu.memory_space<hbm>>
    %dma_start3A_36 = arith.constant 0 : i32
    %dma_start3A_37 = arith.constant 0 : i32
    %dma_start3A_38 = tpu.memref_slice %dma_start3A_35[%dma_start3A_36, %dma_start3A_37] : memref<10112x64xf32, #tpu.memory_space<hbm>> -> memref<10112x64xf32, #tpu.memory_space<hbm>>
    tpu.enqueue_indirect_dma source(%dma_start3A_38 : memref<10112x64xf32, #tpu.memory_space<hbm>>) target(%arg8 : memref<128x64xf32, #tpu.memory_space<vmem>>) offsets(%dma_start3A_31 : memref<128xi32, #tpu.memory_space<vmem>>) semaphore(%arg11 : memref<!tpu.dma_semaphore, #tpu.memory_space<semaphore_mem>>)
    %scan3A_39 = arith.constant 0 : i32
    %scan3A_40 = arith.constant 0 : i32
    %scan3A_41 = arith.constant 79 : i32
    %scan3A_42 = arith.addi %scan3A_40, %scan3A_41 : i32
    %scan3A_43 = arith.constant 1 : i32
    %scan3A_44 = scf.for %scan3A_51 = %scan3A_40 to %scan3A_42 step %scan3A_43 iter_args(%scan3A_52 = %scan3A_39) -> (i32)  : i32 {
      %mul3A_53 = arith.constant 2 : i32
      %mul3A_54 = arith.muli %mul3A_53, %scan3A_51 : i32
      %add3A_55 = arith.constant 0 : i32
      %add3A_56 = arith.addi %mul3A_54, %add3A_55 : i32
      %add3A_57 = arith.constant 1 : i32
      %add3A_58 = arith.addi %add3A_56, %add3A_57 : i32
      %lt3A = arith.constant 158 : i32
      %lt3A_59 = arith.cmpi slt, %add3A_58, %lt3A : i32
      %convert_element_type3A = arith.extui %lt3A_59 : i1 to i32
      %cond3A = arith.constant 0 : i32
      %cond3A_60 = arith.cmpi ne, %convert_element_type3A, %cond3A : i32
      scf.if %cond3A_60 {
        %add3A_92 = arith.constant 1 : i32
        %add3A_93 = arith.addi %add3A_56, %add3A_92 : i32
        %dma_start3A_94 = arith.constant 0 : i32
        %dma_start3A_95 = tpu.memref_slice %arg6[%add3A_93, %dma_start3A_94] : memref<158x128xi32, #tpu.memory_space<vmem>> -> memref<1x128xi32, #tpu.memory_space<vmem>>
        %dma_start3A_96 = tpu.memref_squeeze %dma_start3A_95 : memref<1x128xi32, #tpu.memory_space<vmem>> -> memref<128xi32, #tpu.memory_space<vmem>>
        %dma_start3A_97 = arith.constant 0 : i32
        %dma_start3A_98 = arith.constant 0 : i32
        %dma_start3A_99 = tpu.memref_slice %arg2[%arg0, %dma_start3A_97, %dma_start3A_98] : memref<2x10112x64xf32, #tpu.memory_space<hbm>> -> memref<1x10112x64xf32, #tpu.memory_space<hbm>>
        %dma_start3A_100 = tpu.memref_squeeze %dma_start3A_99 : memref<1x10112x64xf32, #tpu.memory_space<hbm>> -> memref<10112x64xf32, #tpu.memory_space<hbm>>
        %dma_start3A_101 = arith.constant 0 : i32
        %dma_start3A_102 = arith.constant 0 : i32
        %dma_start3A_103 = tpu.memref_slice %dma_start3A_100[%dma_start3A_101, %dma_start3A_102] : memref<10112x64xf32, #tpu.memory_space<hbm>> -> memref<10112x64xf32, #tpu.memory_space<hbm>>
        tpu.enqueue_indirect_dma source(%dma_start3A_103 : memref<10112x64xf32, #tpu.memory_space<hbm>>) target(%arg9 : memref<128x64xf32, #tpu.memory_space<vmem>>) offsets(%dma_start3A_96 : memref<128xi32, #tpu.memory_space<vmem>>) semaphore(%arg12 : memref<!tpu.dma_semaphore, #tpu.memory_space<semaphore_mem>>)
      } else {
      }
      %dma_wait3A = arith.constant 0 : i32
      %dma_wait3A_61 = tpu.memref_slice %arg6[%add3A_56, %dma_wait3A] : memref<158x128xi32, #tpu.memory_space<vmem>> -> memref<1x128xi32, #tpu.memory_space<vmem>>
      %dma_wait3A_62 = tpu.memref_squeeze %dma_wait3A_61 : memref<1x128xi32, #tpu.memory_space<vmem>> -> memref<128xi32, #tpu.memory_space<vmem>>
      %dma_wait3A_63 = arith.constant 0 : i32
      %dma_wait3A_64 = arith.constant 0 : i32
      %dma_wait3A_65 = tpu.memref_slice %arg2[%arg0, %dma_wait3A_63, %dma_wait3A_64] : memref<2x10112x64xf32, #tpu.memory_space<hbm>> -> memref<1x10112x64xf32, #tpu.memory_space<hbm>>
      %dma_wait3A_66 = tpu.memref_squeeze %dma_wait3A_65 : memref<1x10112x64xf32, #tpu.memory_space<hbm>> -> memref<10112x64xf32, #tpu.memory_space<hbm>>
      %dma_wait3A_67 = arith.constant 0 : i32
      %dma_wait3A_68 = arith.constant 0 : i32
      %dma_wait3A_69 = tpu.memref_slice %dma_wait3A_66[%dma_wait3A_67, %dma_wait3A_68] : memref<10112x64xf32, #tpu.memory_space<hbm>> -> memref<10112x64xf32, #tpu.memory_space<hbm>>
      tpu.wait_indirect_dma semaphore(%arg11 : memref<!tpu.dma_semaphore, #tpu.memory_space<semaphore_mem>>) src(%dma_wait3A_69 : memref<10112x64xf32, #tpu.memory_space<hbm>>) dst(%arg8 : memref<128x64xf32, #tpu.memory_space<vmem>>)
      "tpu.region"() ({
        %run_scoped3A = tpu.sem_alloc : memref<!tpu.dma_semaphore, #tpu.memory_space<semaphore_mem>>
        %dma_start3A_92 = arith.constant 0 : i32
        %dma_start3A_93 = tpu.memref_slice %arg7[%add3A_56, %dma_start3A_92] : memref<158x128xi32, #tpu.memory_space<vmem>> -> memref<1x128xi32, #tpu.memory_space<vmem>>
        %dma_start3A_94 = tpu.memref_squeeze %dma_start3A_93 : memref<1x128xi32, #tpu.memory_space<vmem>> -> memref<128xi32, #tpu.memory_space<vmem>>
        %dma_start3A_95 = arith.constant 0 : i32
        %dma_start3A_96 = arith.constant 0 : i32
        %dma_start3A_97 = tpu.memref_slice %arg10[%dma_start3A_95, %dma_start3A_96] : memref<10112x64xf32, #tpu.memory_space<vmem_shared>> -> memref<10112x64xf32, #tpu.memory_space<vmem_shared>>
        tpu.enqueue_indirect_dma source(%arg8 : memref<128x64xf32, #tpu.memory_space<vmem>>) target(%dma_start3A_97 : memref<10112x64xf32, #tpu.memory_space<vmem_shared>>) offsets(%dma_start3A_94 : memref<128xi32, #tpu.memory_space<vmem>>) semaphore(%run_scoped3A : memref<!tpu.dma_semaphore, #tpu.memory_space<semaphore_mem>>) {add = true}
        %dma_wait3A_98 = arith.constant 0 : i32
        %dma_wait3A_99 = tpu.memref_slice %arg7[%add3A_56, %dma_wait3A_98] : memref<158x128xi32, #tpu.memory_space<vmem>> -> memref<1x128xi32, #tpu.memory_space<vmem>>
        %dma_wait3A_100 = tpu.memref_squeeze %dma_wait3A_99 : memref<1x128xi32, #tpu.memory_space<vmem>> -> memref<128xi32, #tpu.memory_space<vmem>>
        %dma_wait3A_101 = arith.constant 0 : i32
        %dma_wait3A_102 = arith.constant 0 : i32
        %dma_wait3A_103 = tpu.memref_slice %arg10[%dma_wait3A_101, %dma_wait3A_102] : memref<10112x64xf32, #tpu.memory_space<vmem_shared>> -> memref<10112x64xf32, #tpu.memory_space<vmem_shared>>
        tpu.wait_indirect_dma semaphore(%run_scoped3A : memref<!tpu.dma_semaphore, #tpu.memory_space<semaphore_mem>>) src(%arg8 : memref<128x64xf32, #tpu.memory_space<vmem>>) dst(%dma_wait3A_103 : memref<10112x64xf32, #tpu.memory_space<vmem_shared>>)
        tpu.yield
      }) : () -> ()
      %mul3A_70 = arith.constant 2 : i32
      %mul3A_71 = arith.muli %mul3A_70, %scan3A_51 : i32
      %add3A_72 = arith.constant 1 : i32
      %add3A_73 = arith.addi %mul3A_71, %add3A_72 : i32
      %add3A_74 = arith.constant 1 : i32
      %add3A_75 = arith.addi %add3A_73, %add3A_74 : i32
      %lt3A_76 = arith.constant 158 : i32
      %lt3A_77 = arith.cmpi slt, %add3A_75, %lt3A_76 : i32
      %convert_element_type3A_78 = arith.extui %lt3A_77 : i1 to i32
      %cond3A_79 = arith.constant 0 : i32
      %cond3A_80 = arith.cmpi ne, %convert_element_type3A_78, %cond3A_79 : i32
      scf.if %cond3A_80 {
        %add3A_92 = arith.constant 1 : i32
        %add3A_93 = arith.addi %add3A_73, %add3A_92 : i32
        %dma_start3A_94 = arith.constant 0 : i32
        %dma_start3A_95 = tpu.memref_slice %arg6[%add3A_93, %dma_start3A_94] : memref<158x128xi32, #tpu.memory_space<vmem>> -> memref<1x128xi32, #tpu.memory_space<vmem>>
        %dma_start3A_96 = tpu.memref_squeeze %dma_start3A_95 : memref<1x128xi32, #tpu.memory_space<vmem>> -> memref<128xi32, #tpu.memory_space<vmem>>
        %dma_start3A_97 = arith.constant 0 : i32
        %dma_start3A_98 = arith.constant 0 : i32
        %dma_start3A_99 = tpu.memref_slice %arg2[%arg0, %dma_start3A_97, %dma_start3A_98] : memref<2x10112x64xf32, #tpu.memory_space<hbm>> -> memref<1x10112x64xf32, #tpu.memory_space<hbm>>
        %dma_start3A_100 = tpu.memref_squeeze %dma_start3A_99 : memref<1x10112x64xf32, #tpu.memory_space<hbm>> -> memref<10112x64xf32, #tpu.memory_space<hbm>>
        %dma_start3A_101 = arith.constant 0 : i32
        %dma_start3A_102 = arith.constant 0 : i32
        %dma_start3A_103 = tpu.memref_slice %dma_start3A_100[%dma_start3A_101, %dma_start3A_102] : memref<10112x64xf32, #tpu.memory_space<hbm>> -> memref<10112x64xf32, #tpu.memory_space<hbm>>
        tpu.enqueue_indirect_dma source(%dma_start3A_103 : memref<10112x64xf32, #tpu.memory_space<hbm>>) target(%arg8 : memref<128x64xf32, #tpu.memory_space<vmem>>) offsets(%dma_start3A_96 : memref<128xi32, #tpu.memory_space<vmem>>) semaphore(%arg11 : memref<!tpu.dma_semaphore, #tpu.memory_space<semaphore_mem>>)
      } else {
      }
      %dma_wait3A_81 = arith.constant 0 : i32
      %dma_wait3A_82 = tpu.memref_slice %arg6[%add3A_73, %dma_wait3A_81] : memref<158x128xi32, #tpu.memory_space<vmem>> -> memref<1x128xi32, #tpu.memory_space<vmem>>
      %dma_wait3A_83 = tpu.memref_squeeze %dma_wait3A_82 : memref<1x128xi32, #tpu.memory_space<vmem>> -> memref<128xi32, #tpu.memory_space<vmem>>
      %dma_wait3A_84 = arith.constant 0 : i32
      %dma_wait3A_85 = arith.constant 0 : i32
      %dma_wait3A_86 = tpu.memref_slice %arg2[%arg0, %dma_wait3A_84, %dma_wait3A_85] : memref<2x10112x64xf32, #tpu.memory_space<hbm>> -> memref<1x10112x64xf32, #tpu.memory_space<hbm>>
      %dma_wait3A_87 = tpu.memref_squeeze %dma_wait3A_86 : memref<1x10112x64xf32, #tpu.memory_space<hbm>> -> memref<10112x64xf32, #tpu.memory_space<hbm>>
      %dma_wait3A_88 = arith.constant 0 : i32
      %dma_wait3A_89 = arith.constant 0 : i32
      %dma_wait3A_90 = tpu.memref_slice %dma_wait3A_87[%dma_wait3A_88, %dma_wait3A_89] : memref<10112x64xf32, #tpu.memory_space<hbm>> -> memref<10112x64xf32, #tpu.memory_space<hbm>>
      tpu.wait_indirect_dma semaphore(%arg12 : memref<!tpu.dma_semaphore, #tpu.memory_space<semaphore_mem>>) src(%dma_wait3A_90 : memref<10112x64xf32, #tpu.memory_space<hbm>>) dst(%arg9 : memref<128x64xf32, #tpu.memory_space<vmem>>)
      "tpu.region"() ({
        %run_scoped3A = tpu.sem_alloc : memref<!tpu.dma_semaphore, #tpu.memory_space<semaphore_mem>>
        %dma_start3A_92 = arith.constant 0 : i32
        %dma_start3A_93 = tpu.memref_slice %arg7[%add3A_73, %dma_start3A_92] : memref<158x128xi32, #tpu.memory_space<vmem>> -> memref<1x128xi32, #tpu.memory_space<vmem>>
        %dma_start3A_94 = tpu.memref_squeeze %dma_start3A_93 : memref<1x128xi32, #tpu.memory_space<vmem>> -> memref<128xi32, #tpu.memory_space<vmem>>
        %dma_start3A_95 = arith.constant 0 : i32
        %dma_start3A_96 = arith.constant 0 : i32
        %dma_start3A_97 = tpu.memref_slice %arg10[%dma_start3A_95, %dma_start3A_96] : memref<10112x64xf32, #tpu.memory_space<vmem_shared>> -> memref<10112x64xf32, #tpu.memory_space<vmem_shared>>
        tpu.enqueue_indirect_dma source(%arg9 : memref<128x64xf32, #tpu.memory_space<vmem>>) target(%dma_start3A_97 : memref<10112x64xf32, #tpu.memory_space<vmem_shared>>) offsets(%dma_start3A_94 : memref<128xi32, #tpu.memory_space<vmem>>) semaphore(%run_scoped3A : memref<!tpu.dma_semaphore, #tpu.memory_space<semaphore_mem>>) {add = true}
        %dma_wait3A_98 = arith.constant 0 : i32
        %dma_wait3A_99 = tpu.memref_slice %arg7[%add3A_73, %dma_wait3A_98] : memref<158x128xi32, #tpu.memory_space<vmem>> -> memref<1x128xi32, #tpu.memory_space<vmem>>
        %dma_wait3A_100 = tpu.memref_squeeze %dma_wait3A_99 : memref<1x128xi32, #tpu.memory_space<vmem>> -> memref<128xi32, #tpu.memory_space<vmem>>
        %dma_wait3A_101 = arith.constant 0 : i32
        %dma_wait3A_102 = arith.constant 0 : i32
        %dma_wait3A_103 = tpu.memref_slice %arg10[%dma_wait3A_101, %dma_wait3A_102] : memref<10112x64xf32, #tpu.memory_space<vmem_shared>> -> memref<10112x64xf32, #tpu.memory_space<vmem_shared>>
        tpu.wait_indirect_dma semaphore(%run_scoped3A : memref<!tpu.dma_semaphore, #tpu.memory_space<semaphore_mem>>) src(%arg9 : memref<128x64xf32, #tpu.memory_space<vmem>>) dst(%dma_wait3A_103 : memref<10112x64xf32, #tpu.memory_space<vmem_shared>>)
        tpu.yield
      }) : () -> ()
      %scan3A_91 = arith.constant 0 : i32
      scf.yield %scan3A_91 : i32
    }
    %scan3A_45 = arith.constant 79 : i32
    %barrier3A_46 = arith.constant 0 : index
    tpu.barrier barrier_id(%barrier3A_46)
    %mul3A_47 = arith.constant 632 : i32
    %mul3A_48 = arith.muli %mul3A_47, %arg1 : i32
    %mul3A_49 = arith.constant 632 : i32
    %mul3A_50 = arith.muli %mul3A_49, %arg1 : i32
    "tpu.region"() ({
      %run_scoped3A = tpu.sem_alloc : memref<!tpu.dma_semaphore, #tpu.memory_space<semaphore_mem>>
      %dma_start3A_51 = arith.constant 0 : i32
      %dma_start3A_52 = tpu.memref_slice %arg5[%arg0, %mul3A_50, %dma_start3A_51] : memref<2x10112x64xf32, #tpu.memory_space<hbm>> -> memref<1x632x64xf32, #tpu.memory_space<hbm>>
      %dma_start3A_53 = tpu.memref_squeeze %dma_start3A_52 : memref<1x632x64xf32, #tpu.memory_space<hbm>> -> memref<632x64xf32, #tpu.memory_space<hbm>>
      %dma_start3A_54 = arith.constant 0 : i32
      %dma_start3A_55 = tpu.memref_slice %arg10[%mul3A_48, %dma_start3A_54] : memref<10112x64xf32, #tpu.memory_space<vmem_shared>> -> memref<632x64xf32, #tpu.memory_space<vmem_shared>>
      tpu.enqueue_dma source(%dma_start3A_55 : memref<632x64xf32, #tpu.memory_space<vmem_shared>>) target(%dma_start3A_53 : memref<632x64xf32, #tpu.memory_space<hbm>>) target_semaphore(%run_scoped3A : memref<!tpu.dma_semaphore, #tpu.memory_space<semaphore_mem>>)
      %dma_wait3A = arith.constant 0 : i32
      %dma_wait3A_56 = tpu.memref_slice %arg5[%arg0, %mul3A_50, %dma_wait3A] : memref<2x10112x64xf32, #tpu.memory_space<hbm>> -> memref<1x632x64xf32, #tpu.memory_space<hbm>>
      %dma_wait3A_57 = tpu.memref_squeeze %dma_wait3A_56 : memref<1x632x64xf32, #tpu.memory_space<hbm>> -> memref<632x64xf32, #tpu.memory_space<hbm>>
      %dma_wait3A_58 = arith.constant 0 : i32
      %dma_wait3A_59 = tpu.memref_slice %arg10[%mul3A_48, %dma_wait3A_58] : memref<10112x64xf32, #tpu.memory_space<vmem_shared>> -> memref<632x64xf32, #tpu.memory_space<vmem_shared>>
      tpu.wait_dma2 semaphore(%run_scoped3A : memref<!tpu.dma_semaphore, #tpu.memory_space<semaphore_mem>>) src(%dma_wait3A_59 : memref<632x64xf32, #tpu.memory_space<vmem_shared>>) dst(%dma_wait3A_57 : memref<632x64xf32, #tpu.memory_space<hbm>>)
      tpu.yield
    }) : () -> ()
    return
  }
}

#map = affine_map<(d0, d1) -> (0, 0, 0)>
module attributes {stable_mosaic.version = 14 : i64} {
  func.func @_deg_body(%arg0: i32, %arg1: i32, %arg2: memref<32x79x128xi32, #tpu.memory_space<hbm>>, %arg3: memref<2x10112x16xf32, #tpu.memory_space<hbm>>, %arg4: memref<79x128xi32, #tpu.memory_space<vmem>>, %arg5: memref<128x16xf32, #tpu.memory_space<vmem>>, %arg6: memref<10112x16xf32, #tpu.memory_space<vmem_shared>>) attributes {dimension_semantics = [#tpu.dimension_semantics<core_parallel>, #tpu.dimension_semantics<subcore_parallel>], iteration_bounds = array<i64: 2, 16>, scalar_prefetch = 0 : i64, scratch_operands = 3 : i64, tpu.core_type = #tpu.core_type<sc_vector_subcore>, window_params = [{transform_indices = #map}, {transform_indices = #map}]} {
    %mul3A = arith.constant 16 : i32
    %mul3A_0 = arith.muli %arg0, %mul3A : i32
    %add3A = arith.addi %mul3A_0, %arg1 : i32
    "tpu.region"() ({
      %run_scoped3A = tpu.sem_alloc : memref<!tpu.dma_semaphore, #tpu.memory_space<semaphore_mem>>
      %dma_start3A = arith.constant 0 : i32
      %dma_start3A_41 = arith.constant 0 : i32
      %dma_start3A_42 = tpu.memref_slice %arg2[%add3A, %dma_start3A, %dma_start3A_41] : memref<32x79x128xi32, #tpu.memory_space<hbm>> -> memref<1x79x128xi32, #tpu.memory_space<hbm>>
      %dma_start3A_43 = tpu.memref_squeeze %dma_start3A_42 : memref<1x79x128xi32, #tpu.memory_space<hbm>> -> memref<79x128xi32, #tpu.memory_space<hbm>>
      %dma_start3A_44 = arith.constant 0 : i32
      %dma_start3A_45 = arith.constant 0 : i32
      %dma_start3A_46 = tpu.memref_slice %arg2[%add3A, %dma_start3A_44, %dma_start3A_45] : memref<32x79x128xi32, #tpu.memory_space<hbm>> -> memref<1x79x128xi32, #tpu.memory_space<hbm>>
      %dma_start3A_47 = tpu.memref_squeeze %dma_start3A_46 : memref<1x79x128xi32, #tpu.memory_space<hbm>> -> memref<79x128xi32, #tpu.memory_space<hbm>>
      tpu.enqueue_dma source(%dma_start3A_47 : memref<79x128xi32, #tpu.memory_space<hbm>>) target(%arg4 : memref<79x128xi32, #tpu.memory_space<vmem>>) target_semaphore(%run_scoped3A : memref<!tpu.dma_semaphore, #tpu.memory_space<semaphore_mem>>)
      %dma_wait3A = arith.constant 0 : i32
      %dma_wait3A_48 = arith.constant 0 : i32
      %dma_wait3A_49 = tpu.memref_slice %arg2[%add3A, %dma_wait3A, %dma_wait3A_48] : memref<32x79x128xi32, #tpu.memory_space<hbm>> -> memref<1x79x128xi32, #tpu.memory_space<hbm>>
      %dma_wait3A_50 = tpu.memref_squeeze %dma_wait3A_49 : memref<1x79x128xi32, #tpu.memory_space<hbm>> -> memref<79x128xi32, #tpu.memory_space<hbm>>
      %dma_wait3A_51 = arith.constant 0 : i32
      %dma_wait3A_52 = arith.constant 0 : i32
      %dma_wait3A_53 = tpu.memref_slice %arg2[%add3A, %dma_wait3A_51, %dma_wait3A_52] : memref<32x79x128xi32, #tpu.memory_space<hbm>> -> memref<1x79x128xi32, #tpu.memory_space<hbm>>
      %dma_wait3A_54 = tpu.memref_squeeze %dma_wait3A_53 : memref<1x79x128xi32, #tpu.memory_space<hbm>> -> memref<79x128xi32, #tpu.memory_space<hbm>>
      tpu.wait_dma2 semaphore(%run_scoped3A : memref<!tpu.dma_semaphore, #tpu.memory_space<semaphore_mem>>) src(%dma_wait3A_54 : memref<79x128xi32, #tpu.memory_space<hbm>>) dst(%arg4 : memref<79x128xi32, #tpu.memory_space<vmem>>)
      tpu.yield
    }) : () -> ()
    %broadcast_in_dim3A = arith.constant 0.000000e+00 : f32
    %broadcast_in_dim3A_1 = vector.broadcast %broadcast_in_dim3A : f32 to vector<16xf32>
    %scan3A = arith.constant 0 : i32
    %scan3A_2 = arith.constant 0 : i32
    %scan3A_3 = arith.constant 128 : i32
    %scan3A_4 = arith.addi %scan3A_2, %scan3A_3 : i32
    %scan3A_5 = arith.constant 1 : i32
    %scan3A_6 = scf.for %scan3A_41 = %scan3A_2 to %scan3A_4 step %scan3A_5 iter_args(%scan3A_42 = %scan3A) -> (i32)  : i32 {
      %jit3A = arith.constant 1 : i32
      %div3A = arith.divsi %scan3A_41, %jit3A : i32
      %sign3A = arith.constant 0 : i32
      %sign3A_43 = arith.cmpi sgt, %scan3A_41, %sign3A : i32
      %sign3A_44 = arith.extui %sign3A_43 : i1 to i32
      %sign3A_45 = arith.constant 0 : i32
      %sign3A_46 = arith.cmpi slt, %scan3A_41, %sign3A_45 : i32
      %sign3A_47 = arith.extui %sign3A_46 : i1 to i32
      %sign3A_48 = arith.subi %sign3A_44, %sign3A_47 : i32
      %sign3A_49 = arith.constant 0 : i32
      %sign3A_50 = arith.cmpi sgt, %jit3A, %sign3A_49 : i32
      %sign3A_51 = arith.extui %sign3A_50 : i1 to i32
      %sign3A_52 = arith.constant 0 : i32
      %sign3A_53 = arith.cmpi slt, %jit3A, %sign3A_52 : i32
      %sign3A_54 = arith.extui %sign3A_53 : i1 to i32
      %sign3A_55 = arith.subi %sign3A_51, %sign3A_54 : i32
      %ne3A = arith.cmpi ne, %sign3A_48, %sign3A_55 : i32
      %rem3A = arith.remsi %scan3A_41, %jit3A : i32
      %ne3A_56 = arith.constant 0 : i32
      %ne3A_57 = arith.cmpi ne, %rem3A, %ne3A_56 : i32
      %and3A = arith.andi %ne3A, %ne3A_57 : i1
      %sub3A = arith.constant 1 : i32
      %sub3A_58 = arith.subi %div3A, %sub3A : i32
      %select_n3A = arith.select %and3A, %sub3A_58, %div3A : i32
      %jit3A_59 = arith.constant 1 : i32
      %eq3A = arith.constant 0 : i32
      %eq3A_60 = arith.cmpi eq, %jit3A_59, %eq3A : i32
      %jit3A_61 = arith.constant 1 : i32
      %select_n3A_62 = arith.select %eq3A_60, %jit3A_61, %jit3A_59 : i32
      %rem3A_63 = arith.remsi %scan3A_41, %select_n3A_62 : i32
      %ne3A_64 = arith.constant 0 : i32
      %ne3A_65 = arith.cmpi ne, %rem3A_63, %ne3A_64 : i32
      %lt3A = arith.constant 0 : i32
      %lt3A_66 = arith.cmpi slt, %rem3A_63, %lt3A : i32
      %lt3A_67 = arith.constant 0 : i32
      %lt3A_68 = arith.cmpi slt, %select_n3A_62, %lt3A_67 : i32
      %ne3A_69 = arith.xori %lt3A_66, %lt3A_68 : i1
      %and3A_70 = arith.andi %ne3A_69, %ne3A_65 : i1
      %add3A_71 = arith.addi %rem3A_63, %select_n3A_62 : i32
      %select_n3A_72 = arith.select %and3A_70, %add3A_71, %rem3A_63 : i32
      %mul3A_73 = arith.constant 16 : i32
      %mul3A_74 = arith.muli %select_n3A_72, %mul3A_73 : i32
      %swap3A = arith.index_cast %select_n3A : i32 to index
      %swap3A_75 = arith.index_cast %mul3A_74 : i32 to index
      %swap3A_76 = tpu.vector_load %arg5[%swap3A, %swap3A_75] {strides = array<i32>} : memref<128x16xf32, #tpu.memory_space<vmem>>, vector<1x16xf32>,
      %swap3A_77 = vector.shape_cast %swap3A_76 : vector<1x16xf32> to vector<16xf32>
      %swap3A_78 = vector.shape_cast %broadcast_in_dim3A_1 : vector<16xf32> to vector<1x16xf32>
      tpu.vector_store %arg5[%swap3A, %swap3A_75], %swap3A_78 {strides = array<i32>} : memref<128x16xf32, #tpu.memory_space<vmem>>, vector<1x16xf32>,
      %scan3A_79 = arith.constant 0 : i32
      scf.yield %scan3A_79 : i32
    }
    %scan3A_7 = arith.constant 128 : i32
    %mul3A_8 = arith.constant 632 : i32
    %mul3A_9 = arith.muli %mul3A_8, %arg1 : i32
    %add3A_10 = arith.constant 0 : i32
    %add3A_11 = arith.addi %mul3A_9, %add3A_10 : i32
    "tpu.region"() ({
      %run_scoped3A = tpu.sem_alloc : memref<!tpu.dma_semaphore, #tpu.memory_space<semaphore_mem>>
      %dma_start3A = arith.constant 0 : i32
      %dma_start3A_41 = tpu.memref_slice %arg6[%add3A_11, %dma_start3A] : memref<10112x16xf32, #tpu.memory_space<vmem_shared>> -> memref<128x16xf32, #tpu.memory_space<vmem_shared>>
      %dma_start3A_42 = arith.constant 0 : i32
      %dma_start3A_43 = tpu.memref_slice %arg6[%add3A_11, %dma_start3A_42] : memref<10112x16xf32, #tpu.memory_space<vmem_shared>> -> memref<128x16xf32, #tpu.memory_space<vmem_shared>>
      tpu.enqueue_dma source(%arg5 : memref<128x16xf32, #tpu.memory_space<vmem>>) target(%dma_start3A_43 : memref<128x16xf32, #tpu.memory_space<vmem_shared>>) target_semaphore(%run_scoped3A : memref<!tpu.dma_semaphore, #tpu.memory_space<semaphore_mem>>)
      %dma_wait3A = arith.constant 0 : i32
      %dma_wait3A_44 = tpu.memref_slice %arg6[%add3A_11, %dma_wait3A] : memref<10112x16xf32, #tpu.memory_space<vmem_shared>> -> memref<128x16xf32, #tpu.memory_space<vmem_shared>>
      %dma_wait3A_45 = arith.constant 0 : i32
      %dma_wait3A_46 = tpu.memref_slice %arg6[%add3A_11, %dma_wait3A_45] : memref<10112x16xf32, #tpu.memory_space<vmem_shared>> -> memref<128x16xf32, #tpu.memory_space<vmem_shared>>
      tpu.wait_dma2 semaphore(%run_scoped3A : memref<!tpu.dma_semaphore, #tpu.memory_space<semaphore_mem>>) src(%arg5 : memref<128x16xf32, #tpu.memory_space<vmem>>) dst(%dma_wait3A_46 : memref<128x16xf32, #tpu.memory_space<vmem_shared>>)
      tpu.yield
    }) : () -> ()
    %add3A_12 = arith.constant 128 : i32
    %add3A_13 = arith.addi %mul3A_9, %add3A_12 : i32
    "tpu.region"() ({
      %run_scoped3A = tpu.sem_alloc : memref<!tpu.dma_semaphore, #tpu.memory_space<semaphore_mem>>
      %dma_start3A = arith.constant 0 : i32
      %dma_start3A_41 = tpu.memref_slice %arg6[%add3A_13, %dma_start3A] : memref<10112x16xf32, #tpu.memory_space<vmem_shared>> -> memref<128x16xf32, #tpu.memory_space<vmem_shared>>
      %dma_start3A_42 = arith.constant 0 : i32
      %dma_start3A_43 = tpu.memref_slice %arg6[%add3A_13, %dma_start3A_42] : memref<10112x16xf32, #tpu.memory_space<vmem_shared>> -> memref<128x16xf32, #tpu.memory_space<vmem_shared>>
      tpu.enqueue_dma source(%arg5 : memref<128x16xf32, #tpu.memory_space<vmem>>) target(%dma_start3A_43 : memref<128x16xf32, #tpu.memory_space<vmem_shared>>) target_semaphore(%run_scoped3A : memref<!tpu.dma_semaphore, #tpu.memory_space<semaphore_mem>>)
      %dma_wait3A = arith.constant 0 : i32
      %dma_wait3A_44 = tpu.memref_slice %arg6[%add3A_13, %dma_wait3A] : memref<10112x16xf32, #tpu.memory_space<vmem_shared>> -> memref<128x16xf32, #tpu.memory_space<vmem_shared>>
      %dma_wait3A_45 = arith.constant 0 : i32
      %dma_wait3A_46 = tpu.memref_slice %arg6[%add3A_13, %dma_wait3A_45] : memref<10112x16xf32, #tpu.memory_space<vmem_shared>> -> memref<128x16xf32, #tpu.memory_space<vmem_shared>>
      tpu.wait_dma2 semaphore(%run_scoped3A : memref<!tpu.dma_semaphore, #tpu.memory_space<semaphore_mem>>) src(%arg5 : memref<128x16xf32, #tpu.memory_space<vmem>>) dst(%dma_wait3A_46 : memref<128x16xf32, #tpu.memory_space<vmem_shared>>)
      tpu.yield
    }) : () -> ()
    %add3A_14 = arith.constant 256 : i32
    %add3A_15 = arith.addi %mul3A_9, %add3A_14 : i32
    "tpu.region"() ({
      %run_scoped3A = tpu.sem_alloc : memref<!tpu.dma_semaphore, #tpu.memory_space<semaphore_mem>>
      %dma_start3A = arith.constant 0 : i32
      %dma_start3A_41 = tpu.memref_slice %arg6[%add3A_15, %dma_start3A] : memref<10112x16xf32, #tpu.memory_space<vmem_shared>> -> memref<128x16xf32, #tpu.memory_space<vmem_shared>>
      %dma_start3A_42 = arith.constant 0 : i32
      %dma_start3A_43 = tpu.memref_slice %arg6[%add3A_15, %dma_start3A_42] : memref<10112x16xf32, #tpu.memory_space<vmem_shared>> -> memref<128x16xf32, #tpu.memory_space<vmem_shared>>
      tpu.enqueue_dma source(%arg5 : memref<128x16xf32, #tpu.memory_space<vmem>>) target(%dma_start3A_43 : memref<128x16xf32, #tpu.memory_space<vmem_shared>>) target_semaphore(%run_scoped3A : memref<!tpu.dma_semaphore, #tpu.memory_space<semaphore_mem>>)
      %dma_wait3A = arith.constant 0 : i32
      %dma_wait3A_44 = tpu.memref_slice %arg6[%add3A_15, %dma_wait3A] : memref<10112x16xf32, #tpu.memory_space<vmem_shared>> -> memref<128x16xf32, #tpu.memory_space<vmem_shared>>
      %dma_wait3A_45 = arith.constant 0 : i32
      %dma_wait3A_46 = tpu.memref_slice %arg6[%add3A_15, %dma_wait3A_45] : memref<10112x16xf32, #tpu.memory_space<vmem_shared>> -> memref<128x16xf32, #tpu.memory_space<vmem_shared>>
      tpu.wait_dma2 semaphore(%run_scoped3A : memref<!tpu.dma_semaphore, #tpu.memory_space<semaphore_mem>>) src(%arg5 : memref<128x16xf32, #tpu.memory_space<vmem>>) dst(%dma_wait3A_46 : memref<128x16xf32, #tpu.memory_space<vmem_shared>>)
      tpu.yield
    }) : () -> ()
    %add3A_16 = arith.constant 384 : i32
    %add3A_17 = arith.addi %mul3A_9, %add3A_16 : i32
    "tpu.region"() ({
      %run_scoped3A = tpu.sem_alloc : memref<!tpu.dma_semaphore, #tpu.memory_space<semaphore_mem>>
      %dma_start3A = arith.constant 0 : i32
      %dma_start3A_41 = tpu.memref_slice %arg6[%add3A_17, %dma_start3A] : memref<10112x16xf32, #tpu.memory_space<vmem_shared>> -> memref<128x16xf32, #tpu.memory_space<vmem_shared>>
      %dma_start3A_42 = arith.constant 0 : i32
      %dma_start3A_43 = tpu.memref_slice %arg6[%add3A_17, %dma_start3A_42] : memref<10112x16xf32, #tpu.memory_space<vmem_shared>> -> memref<128x16xf32, #tpu.memory_space<vmem_shared>>
      tpu.enqueue_dma source(%arg5 : memref<128x16xf32, #tpu.memory_space<vmem>>) target(%dma_start3A_43 : memref<128x16xf32, #tpu.memory_space<vmem_shared>>) target_semaphore(%run_scoped3A : memref<!tpu.dma_semaphore, #tpu.memory_space<semaphore_mem>>)
      %dma_wait3A = arith.constant 0 : i32
      %dma_wait3A_44 = tpu.memref_slice %arg6[%add3A_17, %dma_wait3A] : memref<10112x16xf32, #tpu.memory_space<vmem_shared>> -> memref<128x16xf32, #tpu.memory_space<vmem_shared>>
      %dma_wait3A_45 = arith.constant 0 : i32
      %dma_wait3A_46 = tpu.memref_slice %arg6[%add3A_17, %dma_wait3A_45] : memref<10112x16xf32, #tpu.memory_space<vmem_shared>> -> memref<128x16xf32, #tpu.memory_space<vmem_shared>>
      tpu.wait_dma2 semaphore(%run_scoped3A : memref<!tpu.dma_semaphore, #tpu.memory_space<semaphore_mem>>) src(%arg5 : memref<128x16xf32, #tpu.memory_space<vmem>>) dst(%dma_wait3A_46 : memref<128x16xf32, #tpu.memory_space<vmem_shared>>)
      tpu.yield
    }) : () -> ()
    %add3A_18 = arith.constant 512 : i32
    %add3A_19 = arith.addi %mul3A_9, %add3A_18 : i32
    "tpu.region"() ({
      %run_scoped3A = tpu.sem_alloc : memref<!tpu.dma_semaphore, #tpu.memory_space<semaphore_mem>>
      %dma_start3A = arith.constant 0 : i32
      %dma_start3A_41 = arith.constant 0 : i32
      %dma_start3A_42 = tpu.memref_slice %arg5[%dma_start3A, %dma_start3A_41] : memref<128x16xf32, #tpu.memory_space<vmem>> -> memref<120x16xf32, #tpu.memory_space<vmem>>
      %dma_start3A_43 = arith.constant 0 : i32
      %dma_start3A_44 = tpu.memref_slice %arg6[%add3A_19, %dma_start3A_43] : memref<10112x16xf32, #tpu.memory_space<vmem_shared>> -> memref<120x16xf32, #tpu.memory_space<vmem_shared>>
      %dma_start3A_45 = arith.constant 0 : i32
      %dma_start3A_46 = tpu.memref_slice %arg6[%add3A_19, %dma_start3A_45] : memref<10112x16xf32, #tpu.memory_space<vmem_shared>> -> memref<120x16xf32, #tpu.memory_space<vmem_shared>>
      %dma_start3A_47 = arith.constant 0 : i32
      %dma_start3A_48 = arith.constant 0 : i32
      %dma_start3A_49 = tpu.memref_slice %arg5[%dma_start3A_47, %dma_start3A_48] : memref<128x16xf32, #tpu.memory_space<vmem>> -> memref<120x16xf32, #tpu.memory_space<vmem>>
      tpu.enqueue_dma source(%dma_start3A_49 : memref<120x16xf32, #tpu.memory_space<vmem>>) target(%dma_start3A_46 : memref<120x16xf32, #tpu.memory_space<vmem_shared>>) target_semaphore(%run_scoped3A : memref<!tpu.dma_semaphore, #tpu.memory_space<semaphore_mem>>)
      %dma_wait3A = arith.constant 0 : i32
      %dma_wait3A_50 = arith.constant 0 : i32
      %dma_wait3A_51 = tpu.memref_slice %arg5[%dma_wait3A, %dma_wait3A_50] : memref<128x16xf32, #tpu.memory_space<vmem>> -> memref<120x16xf32, #tpu.memory_space<vmem>>
      %dma_wait3A_52 = arith.constant 0 : i32
      %dma_wait3A_53 = tpu.memref_slice %arg6[%add3A_19, %dma_wait3A_52] : memref<10112x16xf32, #tpu.memory_space<vmem_shared>> -> memref<120x16xf32, #tpu.memory_space<vmem_shared>>
      %dma_wait3A_54 = arith.constant 0 : i32
      %dma_wait3A_55 = tpu.memref_slice %arg6[%add3A_19, %dma_wait3A_54] : memref<10112x16xf32, #tpu.memory_space<vmem_shared>> -> memref<120x16xf32, #tpu.memory_space<vmem_shared>>
      %dma_wait3A_56 = arith.constant 0 : i32
      %dma_wait3A_57 = arith.constant 0 : i32
      %dma_wait3A_58 = tpu.memref_slice %arg5[%dma_wait3A_56, %dma_wait3A_57] : memref<128x16xf32, #tpu.memory_space<vmem>> -> memref<120x16xf32, #tpu.memory_space<vmem>>
      tpu.wait_dma2 semaphore(%run_scoped3A : memref<!tpu.dma_semaphore, #tpu.memory_space<semaphore_mem>>) src(%dma_wait3A_58 : memref<120x16xf32, #tpu.memory_space<vmem>>) dst(%dma_wait3A_55 : memref<120x16xf32, #tpu.memory_space<vmem_shared>>)
      tpu.yield
    }) : () -> ()
    %broadcast_in_dim3A_20 = arith.constant 1.000000e+00 : f32
    %broadcast_in_dim3A_21 = vector.broadcast %broadcast_in_dim3A_20 : f32 to vector<16xf32>
    %scan3A_22 = arith.constant 0 : i32
    %scan3A_23 = arith.constant 0 : i32
    %scan3A_24 = arith.constant 128 : i32
    %scan3A_25 = arith.addi %scan3A_23, %scan3A_24 : i32
    %scan3A_26 = arith.constant 1 : i32
    %scan3A_27 = scf.for %scan3A_41 = %scan3A_23 to %scan3A_25 step %scan3A_26 iter_args(%scan3A_42 = %scan3A_22) -> (i32)  : i32 {
      %swap3A = arith.index_cast %scan3A_41 : i32 to index
      %swap3A_43 = arith.constant 0 : index
      %swap3A_44 = tpu.vector_load %arg5[%swap3A, %swap3A_43] {strides = array<i32>} : memref<128x16xf32, #tpu.memory_space<vmem>>, vector<1x16xf32>,
      %swap3A_45 = vector.shape_cast %swap3A_44 : vector<1x16xf32> to vector<16xf32>
      %swap3A_46 = vector.shape_cast %broadcast_in_dim3A_21 : vector<16xf32> to vector<1x16xf32>
      tpu.vector_store %arg5[%swap3A, %swap3A_43], %swap3A_46 {strides = array<i32>} : memref<128x16xf32, #tpu.memory_space<vmem>>, vector<1x16xf32>,
      %scan3A_47 = arith.constant 0 : i32
      scf.yield %scan3A_47 : i32
    }
    %scan3A_28 = arith.constant 128 : i32
    %barrier3A = arith.constant 0 : index
    tpu.barrier barrier_id(%barrier3A)
    %scan3A_29 = arith.constant 0 : i32
    %scan3A_30 = arith.constant 0 : i32
    %scan3A_31 = arith.constant 79 : i32
    %scan3A_32 = arith.addi %scan3A_30, %scan3A_31 : i32
    %scan3A_33 = arith.constant 1 : i32
    %scan3A_34 = scf.for %scan3A_41 = %scan3A_30 to %scan3A_32 step %scan3A_33 iter_args(%scan3A_42 = %scan3A_29) -> (i32)  : i32 {
      "tpu.region"() ({
        %run_scoped3A = tpu.sem_alloc : memref<!tpu.dma_semaphore, #tpu.memory_space<semaphore_mem>>
        %dma_start3A = arith.constant 0 : i32
        %dma_start3A_44 = tpu.memref_slice %arg4[%scan3A_41, %dma_start3A] : memref<79x128xi32, #tpu.memory_space<vmem>> -> memref<1x128xi32, #tpu.memory_space<vmem>>
        %dma_start3A_45 = tpu.memref_squeeze %dma_start3A_44 : memref<1x128xi32, #tpu.memory_space<vmem>> -> memref<128xi32, #tpu.memory_space<vmem>>
        %dma_start3A_46 = arith.constant 0 : i32
        %dma_start3A_47 = arith.constant 0 : i32
        %dma_start3A_48 = tpu.memref_slice %arg6[%dma_start3A_46, %dma_start3A_47] : memref<10112x16xf32, #tpu.memory_space<vmem_shared>> -> memref<10112x16xf32, #tpu.memory_space<vmem_shared>>
        tpu.enqueue_indirect_dma source(%arg5 : memref<128x16xf32, #tpu.memory_space<vmem>>) target(%dma_start3A_48 : memref<10112x16xf32, #tpu.memory_space<vmem_shared>>) offsets(%dma_start3A_45 : memref<128xi32, #tpu.memory_space<vmem>>) semaphore(%run_scoped3A : memref<!tpu.dma_semaphore, #tpu.memory_space<semaphore_mem>>) {add = true}
        %dma_wait3A = arith.constant 0 : i32
        %dma_wait3A_49 = tpu.memref_slice %arg4[%scan3A_41, %dma_wait3A] : memref<79x128xi32, #tpu.memory_space<vmem>> -> memref<1x128xi32, #tpu.memory_space<vmem>>
        %dma_wait3A_50 = tpu.memref_squeeze %dma_wait3A_49 : memref<1x128xi32, #tpu.memory_space<vmem>> -> memref<128xi32, #tpu.memory_space<vmem>>
        %dma_wait3A_51 = arith.constant 0 : i32
        %dma_wait3A_52 = arith.constant 0 : i32
        %dma_wait3A_53 = tpu.memref_slice %arg6[%dma_wait3A_51, %dma_wait3A_52] : memref<10112x16xf32, #tpu.memory_space<vmem_shared>> -> memref<10112x16xf32, #tpu.memory_space<vmem_shared>>
        tpu.wait_indirect_dma semaphore(%run_scoped3A : memref<!tpu.dma_semaphore, #tpu.memory_space<semaphore_mem>>) src(%arg5 : memref<128x16xf32, #tpu.memory_space<vmem>>) dst(%dma_wait3A_53 : memref<10112x16xf32, #tpu.memory_space<vmem_shared>>)
        tpu.yield
      }) : () -> ()
      %scan3A_43 = arith.constant 0 : i32
      scf.yield %scan3A_43 : i32
    }
    %scan3A_35 = arith.constant 79 : i32
    %barrier3A_36 = arith.constant 0 : index
    tpu.barrier barrier_id(%barrier3A_36)
    %mul3A_37 = arith.constant 632 : i32
    %mul3A_38 = arith.muli %mul3A_37, %arg1 : i32
    %mul3A_39 = arith.constant 632 : i32
    %mul3A_40 = arith.muli %mul3A_39, %arg1 : i32
    "tpu.region"() ({
      %run_scoped3A = tpu.sem_alloc : memref<!tpu.dma_semaphore, #tpu.memory_space<semaphore_mem>>
      %dma_start3A = arith.constant 0 : i32
      %dma_start3A_41 = tpu.memref_slice %arg3[%arg0, %mul3A_40, %dma_start3A] : memref<2x10112x16xf32, #tpu.memory_space<hbm>> -> memref<1x632x16xf32, #tpu.memory_space<hbm>>
      %dma_start3A_42 = tpu.memref_squeeze %dma_start3A_41 : memref<1x632x16xf32, #tpu.memory_space<hbm>> -> memref<632x16xf32, #tpu.memory_space<hbm>>
      %dma_start3A_43 = arith.constant 0 : i32
      %dma_start3A_44 = tpu.memref_slice %arg6[%mul3A_38, %dma_start3A_43] : memref<10112x16xf32, #tpu.memory_space<vmem_shared>> -> memref<632x16xf32, #tpu.memory_space<vmem_shared>>
      tpu.enqueue_dma source(%dma_start3A_44 : memref<632x16xf32, #tpu.memory_space<vmem_shared>>) target(%dma_start3A_42 : memref<632x16xf32, #tpu.memory_space<hbm>>) target_semaphore(%run_scoped3A : memref<!tpu.dma_semaphore, #tpu.memory_space<semaphore_mem>>)
      %dma_wait3A = arith.constant 0 : i32
      %dma_wait3A_45 = tpu.memref_slice %arg3[%arg0, %mul3A_40, %dma_wait3A] : memref<2x10112x16xf32, #tpu.memory_space<hbm>> -> memref<1x632x16xf32, #tpu.memory_space<hbm>>
      %dma_wait3A_46 = tpu.memref_squeeze %dma_wait3A_45 : memref<1x632x16xf32, #tpu.memory_space<hbm>> -> memref<632x16xf32, #tpu.memory_space<hbm>>
      %dma_wait3A_47 = arith.constant 0 : i32
      %dma_wait3A_48 = tpu.memref_slice %arg6[%mul3A_38, %dma_wait3A_47] : memref<10112x16xf32, #tpu.memory_space<vmem_shared>> -> memref<632x16xf32, #tpu.memory_space<vmem_shared>>
      tpu.wait_dma2 semaphore(%run_scoped3A : memref<!tpu.dma_semaphore, #tpu.memory_space<semaphore_mem>>) src(%dma_wait3A_48 : memref<632x16xf32, #tpu.memory_space<vmem_shared>>) dst(%dma_wait3A_46 : memref<632x16xf32, #tpu.memory_space<hbm>>)
      tpu.yield
    }) : () -> ()
    return
  }
}

module attributes {stable_mosaic.version = 14 : i64} {
  func.func @_layer1_body(%arg0: i32, %arg1: memref<2x1000x16xf32, #tpu.memory_space<vmem>>, %arg2: memref<1000x128xf32, #tpu.memory_space<vmem>>, %arg3: memref<128x128xf32, #tpu.memory_space<vmem>>, %arg4: memref<2x1000x64xf32, #tpu.memory_space<vmem>>) attributes {dimension_semantics = [#tpu.dimension_semantics<arbitrary>], iteration_bounds = array<i64: 10>, scalar_prefetch = 0 : i64, scratch_operands = 0 : i64, tpu.core_type = #tpu.core_type<tc>, window_params = [{transform_indices = @transform_0, window_bounds = array<i64: 2, 1000, 16>}, {transform_indices = @transform_1, window_bounds = array<i64: 1000, 128>}, {pipeline_mode = #tpu.pipeline_mode<synchronous>, transform_indices = @transform_2, window_bounds = array<i64: 128, 128>}, {transform_indices = @transform_3, window_bounds = array<i64: 2, 1000, 64>}]} {
    %get3A = arith.constant 0 : index
    %get3A_0 = arith.constant 0 : index
    %get3A_1 = arith.constant 0 : index
    %get3A_2 = vector.load %arg1[%get3A, %get3A_0, %get3A_1] : memref<2x1000x16xf32, #tpu.memory_space<vmem>>, vector<1x1000x1xf32>
    %get3A_3 = vector.shape_cast %get3A_2 : vector<1x1000x1xf32> to vector<1000x1xf32>
    %get3A_4 = arith.constant 1 : index
    %get3A_5 = arith.constant 0 : index
    %get3A_6 = arith.constant 0 : index
    %get3A_7 = vector.load %arg1[%get3A_4, %get3A_5, %get3A_6] : memref<2x1000x16xf32, #tpu.memory_space<vmem>>, vector<1x1000x1xf32>
    %get3A_8 = vector.shape_cast %get3A_7 : vector<1x1000x1xf32> to vector<1000x1xf32>
    %add3A = arith.addf %get3A_3, %get3A_8 : vector<1000x1xf32>
    %add3A_9 = arith.constant 1.000000e+00 : f32
    %add3A_10 = vector.broadcast %add3A_9 : f32 to vector<1000x1xf32>
    %add3A_11 = arith.addf %add3A, %add3A_10 : vector<1000x1xf32>
    %rsqrt3A = math.rsqrt %add3A_11 : vector<1000x1xf32>
    %get3A_12 = arith.constant 0 : index
    %get3A_13 = arith.constant 0 : index
    %get3A_14 = vector.load %arg2[%get3A_12, %get3A_13] : memref<1000x128xf32, #tpu.memory_space<vmem>>, vector<1000x128xf32>
    %get3A_15 = arith.constant 0 : index
    %get3A_16 = arith.constant 0 : index
    %get3A_17 = vector.load %arg3[%get3A_15, %get3A_16] : memref<128x128xf32, #tpu.memory_space<vmem>>, vector<128x128xf32>
    %dot_general3A = arith.constant dense<0.000000e+00> : vector<1000x128xf32>
    %dot_general3A_18 = tpu.matmul %get3A_14, %get3A_17, %dot_general3A {dimension_numbers = #tpu.dot_dimension_numbers<[1], [0], [0], [1], [0, 0, 1, 1], [], []>, transpose_lhs_hint = false} : vector<1000x128xf32>, vector<128x128xf32>, vector<1000x128xf32> -> vector<1000x128xf32>
    %mul3A = vector.broadcast %rsqrt3A : vector<1000x1xf32> to vector<1000x128xf32>
    %mul3A_19 = arith.mulf %dot_general3A_18, %mul3A : vector<1000x128xf32>
    %slice3A = vector.extract_strided_slice %mul3A_19 {offsets = [0, 0], sizes = [1000, 64], strides = [1, 1]} : vector<1000x128xf32> to vector<1000x64xf32>
    %swap3A = arith.constant 0 : index
    %swap3A_20 = arith.constant 0 : index
    %swap3A_21 = arith.constant 0 : index
    %swap3A_22 = vector.load %arg4[%swap3A, %swap3A_20, %swap3A_21] : memref<2x1000x64xf32, #tpu.memory_space<vmem>>, vector<1x1000x64xf32>
    %swap3A_23 = vector.shape_cast %swap3A_22 : vector<1x1000x64xf32> to vector<1000x64xf32>
    %swap3A_24 = vector.shape_cast %slice3A : vector<1000x64xf32> to vector<1x1000x64xf32>
    tpu.vector_store %arg4[%swap3A, %swap3A_20, %swap3A_21], %swap3A_24 {strides = array<i32>} : memref<2x1000x64xf32, #tpu.memory_space<vmem>>, vector<1x1000x64xf32>,
    %slice3A_25 = vector.extract_strided_slice %mul3A_19 {offsets = [0, 64], sizes = [1000, 64], strides = [1, 1]} : vector<1000x128xf32> to vector<1000x64xf32>
    %swap3A_26 = arith.constant 1 : index
    %swap3A_27 = arith.constant 0 : index
    %swap3A_28 = arith.constant 0 : index
    %swap3A_29 = vector.load %arg4[%swap3A_26, %swap3A_27, %swap3A_28] : memref<2x1000x64xf32, #tpu.memory_space<vmem>>, vector<1x1000x64xf32>
    %swap3A_30 = vector.shape_cast %swap3A_29 : vector<1x1000x64xf32> to vector<1000x64xf32>
    %swap3A_31 = vector.shape_cast %slice3A_25 : vector<1000x64xf32> to vector<1x1000x64xf32>
    tpu.vector_store %arg4[%swap3A_26, %swap3A_27, %swap3A_28], %swap3A_31 {strides = array<i32>} : memref<2x1000x64xf32, #tpu.memory_space<vmem>>, vector<1x1000x64xf32>,
    return
  }
  func.func @transform_0(%arg0: i32) -> (i32, i32, i32) {
    %c0_i32 = arith.constant 0 : i32
    %c0_i32_0 = arith.constant 0 : i32
    %c0_i32_1 = arith.constant 0 : i32
    return %c0_i32, %arg0, %c0_i32_0 : i32, i32, i32
  }
  func.func @transform_1(%arg0: i32) -> (i32, i32) {
    %c0_i32 = arith.constant 0 : i32
    %c0_i32_0 = arith.constant 0 : i32
    return %arg0, %c0_i32 : i32, i32
  }
  func.func @transform_2(%arg0: i32) -> (i32, i32) {
    %c0_i32 = arith.constant 0 : i32
    %c0_i32_0 = arith.constant 0 : i32
    %c0_i32_1 = arith.constant 0 : i32
    return %c0_i32, %c0_i32_0 : i32, i32
  }
  func.func @transform_3(%arg0: i32) -> (i32, i32, i32) {
    %c0_i32 = arith.constant 0 : i32
    %c0_i32_0 = arith.constant 0 : i32
    %c0_i32_1 = arith.constant 0 : i32
    return %c0_i32, %arg0, %c0_i32_0 : i32, i32, i32
  }
}

module attributes {stable_mosaic.version = 14 : i64} {
  func.func @_layer2_body(%arg0: i32, %arg1: memref<2x1000x16xf32, #tpu.memory_space<vmem>>, %arg2: memref<2x1000x64xf32, #tpu.memory_space<vmem>>, %arg3: memref<2x1000x64xf32, #tpu.memory_space<vmem>>, %arg4: memref<1x128xf32, #tpu.memory_space<vmem>>, %arg5: memref<128x128xf32, #tpu.memory_space<vmem>>, %arg6: memref<2x1000x64xf32, #tpu.memory_space<vmem>>) attributes {dimension_semantics = [#tpu.dimension_semantics<arbitrary>], iteration_bounds = array<i64: 10>, scalar_prefetch = 0 : i64, scratch_operands = 0 : i64, tpu.core_type = #tpu.core_type<tc>, window_params = [{transform_indices = @transform_0, window_bounds = array<i64: 2, 1000, 16>}, {transform_indices = @transform_1, window_bounds = array<i64: 2, 1000, 64>}, {transform_indices = @transform_2, window_bounds = array<i64: 2, 1000, 64>}, {pipeline_mode = #tpu.pipeline_mode<synchronous>, transform_indices = @transform_3, window_bounds = array<i64: 1, 128>}, {pipeline_mode = #tpu.pipeline_mode<synchronous>, transform_indices = @transform_4, window_bounds = array<i64: 128, 128>}, {transform_indices = @transform_5, window_bounds = array<i64: 2, 1000, 64>}]} {
    %get3A = arith.constant 0 : index
    %get3A_0 = arith.constant 0 : index
    %get3A_1 = arith.constant 0 : index
    %get3A_2 = vector.load %arg1[%get3A, %get3A_0, %get3A_1] : memref<2x1000x16xf32, #tpu.memory_space<vmem>>, vector<1x1000x1xf32>
    %get3A_3 = vector.shape_cast %get3A_2 : vector<1x1000x1xf32> to vector<1000x1xf32>
    %get3A_4 = arith.constant 1 : index
    %get3A_5 = arith.constant 0 : index
    %get3A_6 = arith.constant 0 : index
    %get3A_7 = vector.load %arg1[%get3A_4, %get3A_5, %get3A_6] : memref<2x1000x16xf32, #tpu.memory_space<vmem>>, vector<1x1000x1xf32>
    %get3A_8 = vector.shape_cast %get3A_7 : vector<1x1000x1xf32> to vector<1000x1xf32>
    %add3A = arith.addf %get3A_3, %get3A_8 : vector<1000x1xf32>
    %add3A_9 = arith.constant 1.000000e+00 : f32
    %add3A_10 = vector.broadcast %add3A_9 : f32 to vector<1000x1xf32>
    %add3A_11 = arith.addf %add3A, %add3A_10 : vector<1000x1xf32>
    %rsqrt3A = math.rsqrt %add3A_11 : vector<1000x1xf32>
    %get3A_12 = arith.constant 0 : index
    %get3A_13 = arith.constant 0 : index
    %get3A_14 = arith.constant 0 : index
    %get3A_15 = vector.load %arg2[%get3A_12, %get3A_13, %get3A_14] : memref<2x1000x64xf32, #tpu.memory_space<vmem>>, vector<1x1000x64xf32>
    %get3A_16 = vector.shape_cast %get3A_15 : vector<1x1000x64xf32> to vector<1000x64xf32>
    %get3A_17 = arith.constant 0 : index
    %get3A_18 = arith.constant 0 : index
    %get3A_19 = arith.constant 0 : index
    %get3A_20 = vector.load %arg3[%get3A_17, %get3A_18, %get3A_19] : memref<2x1000x64xf32, #tpu.memory_space<vmem>>, vector<1x1000x64xf32>
    %get3A_21 = vector.shape_cast %get3A_20 : vector<1x1000x64xf32> to vector<1000x64xf32>
    %add3A_22 = arith.addf %get3A_16, %get3A_21 : vector<1000x64xf32>
    %mul3A = vector.broadcast %rsqrt3A : vector<1000x1xf32> to vector<1000x64xf32>
    %mul3A_23 = arith.mulf %mul3A, %add3A_22 : vector<1000x64xf32>
    %get3A_24 = arith.constant 1 : index
    %get3A_25 = arith.constant 0 : index
    %get3A_26 = arith.constant 0 : index
    %get3A_27 = vector.load %arg2[%get3A_24, %get3A_25, %get3A_26] : memref<2x1000x64xf32, #tpu.memory_space<vmem>>, vector<1x1000x64xf32>
    %get3A_28 = vector.shape_cast %get3A_27 : vector<1x1000x64xf32> to vector<1000x64xf32>
    %get3A_29 = arith.constant 1 : index
    %get3A_30 = arith.constant 0 : index
    %get3A_31 = arith.constant 0 : index
    %get3A_32 = vector.load %arg3[%get3A_29, %get3A_30, %get3A_31] : memref<2x1000x64xf32, #tpu.memory_space<vmem>>, vector<1x1000x64xf32>
    %get3A_33 = vector.shape_cast %get3A_32 : vector<1x1000x64xf32> to vector<1000x64xf32>
    %add3A_34 = arith.addf %get3A_28, %get3A_33 : vector<1000x64xf32>
    %mul3A_35 = vector.broadcast %rsqrt3A : vector<1000x1xf32> to vector<1000x64xf32>
    %mul3A_36 = arith.mulf %mul3A_35, %add3A_34 : vector<1000x64xf32>
    %concatenate3A = tpu.concatenate %mul3A_23, %mul3A_36 in 1 : vector<1000x64xf32>, vector<1000x64xf32> -> vector<1000x128xf32>
    %get3A_37 = arith.constant 0 : index
    %get3A_38 = arith.constant 0 : index
    %get3A_39 = vector.load %arg4[%get3A_37, %get3A_38] : memref<1x128xf32, #tpu.memory_space<vmem>>, vector<1x128xf32>
    %add3A_40 = vector.broadcast %get3A_39 : vector<1x128xf32> to vector<1000x128xf32>
    %add3A_41 = arith.addf %concatenate3A, %add3A_40 : vector<1000x128xf32>
    %max3A = arith.constant 0.000000e+00 : f32
    %max3A_42 = vector.broadcast %max3A : f32 to vector<1000x128xf32>
    %max3A_43 = arith.maximumf %add3A_41, %max3A_42 : vector<1000x128xf32>
    %get3A_44 = arith.constant 0 : index
    %get3A_45 = arith.constant 0 : index
    %get3A_46 = vector.load %arg5[%get3A_44, %get3A_45] : memref<128x128xf32, #tpu.memory_space<vmem>>, vector<128x128xf32>
    %dot_general3A = arith.constant dense<0.000000e+00> : vector<1000x128xf32>
    %dot_general3A_47 = tpu.matmul %max3A_43, %get3A_46, %dot_general3A {dimension_numbers = #tpu.dot_dimension_numbers<[1], [0], [0], [1], [0, 0, 1, 1], [], []>, transpose_lhs_hint = false} : vector<1000x128xf32>, vector<128x128xf32>, vector<1000x128xf32> -> vector<1000x128xf32>
    %mul3A_48 = vector.broadcast %rsqrt3A : vector<1000x1xf32> to vector<1000x128xf32>
    %mul3A_49 = arith.mulf %dot_general3A_47, %mul3A_48 : vector<1000x128xf32>
    %slice3A = vector.extract_strided_slice %mul3A_49 {offsets = [0, 0], sizes = [1000, 64], strides = [1, 1]} : vector<1000x128xf32> to vector<1000x64xf32>
    %swap3A = arith.constant 0 : index
    %swap3A_50 = arith.constant 0 : index
    %swap3A_51 = arith.constant 0 : index
    %swap3A_52 = vector.load %arg6[%swap3A, %swap3A_50, %swap3A_51] : memref<2x1000x64xf32, #tpu.memory_space<vmem>>, vector<1x1000x64xf32>
    %swap3A_53 = vector.shape_cast %swap3A_52 : vector<1x1000x64xf32> to vector<1000x64xf32>
    %swap3A_54 = vector.shape_cast %slice3A : vector<1000x64xf32> to vector<1x1000x64xf32>
    tpu.vector_store %arg6[%swap3A, %swap3A_50, %swap3A_51], %swap3A_54 {strides = array<i32>} : memref<2x1000x64xf32, #tpu.memory_space<vmem>>, vector<1x1000x64xf32>,
    %slice3A_55 = vector.extract_strided_slice %mul3A_49 {offsets = [0, 64], sizes = [1000, 64], strides = [1, 1]} : vector<1000x128xf32> to vector<1000x64xf32>
    %swap3A_56 = arith.constant 1 : index
    %swap3A_57 = arith.constant 0 : index
    %swap3A_58 = arith.constant 0 : index
    %swap3A_59 = vector.load %arg6[%swap3A_56, %swap3A_57, %swap3A_58] : memref<2x1000x64xf32, #tpu.memory_space<vmem>>, vector<1x1000x64xf32>
    %swap3A_60 = vector.shape_cast %swap3A_59 : vector<1x1000x64xf32> to vector<1000x64xf32>
    %swap3A_61 = vector.shape_cast %slice3A_55 : vector<1000x64xf32> to vector<1x1000x64xf32>
    tpu.vector_store %arg6[%swap3A_56, %swap3A_57, %swap3A_58], %swap3A_61 {strides = array<i32>} : memref<2x1000x64xf32, #tpu.memory_space<vmem>>, vector<1x1000x64xf32>,
    return
  }
  func.func @transform_0(%arg0: i32) -> (i32, i32, i32) {
    %c0_i32 = arith.constant 0 : i32
    %c0_i32_0 = arith.constant 0 : i32
    %c0_i32_1 = arith.constant 0 : i32
    return %c0_i32, %arg0, %c0_i32_0 : i32, i32, i32
  }
  func.func @transform_1(%arg0: i32) -> (i32, i32, i32) {
    %c0_i32 = arith.constant 0 : i32
    %c0_i32_0 = arith.constant 0 : i32
    %c0_i32_1 = arith.constant 0 : i32
    return %c0_i32, %arg0, %c0_i32_0 : i32, i32, i32
  }
  func.func @transform_2(%arg0: i32) -> (i32, i32, i32) {
    %c0_i32 = arith.constant 0 : i32
    %c0_i32_0 = arith.constant 0 : i32
    %c0_i32_1 = arith.constant 0 : i32
    return %c0_i32, %arg0, %c0_i32_0 : i32, i32, i32
  }
  func.func @transform_3(%arg0: i32) -> (i32, i32) {
    %c0_i32 = arith.constant 0 : i32
    %c0_i32_0 = arith.constant 0 : i32
    %c0_i32_1 = arith.constant 0 : i32
    return %c0_i32, %c0_i32_0 : i32, i32
  }
  func.func @transform_4(%arg0: i32) -> (i32, i32) {
    %c0_i32 = arith.constant 0 : i32
    %c0_i32_0 = arith.constant 0 : i32
    %c0_i32_1 = arith.constant 0 : i32
    return %c0_i32, %c0_i32_0 : i32, i32
  }
  func.func @transform_5(%arg0: i32) -> (i32, i32, i32) {
    %c0_i32 = arith.constant 0 : i32
    %c0_i32_0 = arith.constant 0 : i32
    %c0_i32_1 = arith.constant 0 : i32
    return %c0_i32, %arg0, %c0_i32_0 : i32, i32, i32
  }
}

module attributes {stable_mosaic.version = 14 : i64} {
  func.func @_final_body(%arg0: i32, %arg1: memref<2x1000x16xf32, #tpu.memory_space<vmem>>, %arg2: memref<2x1000x64xf32, #tpu.memory_space<vmem>>, %arg3: memref<2x1000x64xf32, #tpu.memory_space<vmem>>, %arg4: memref<1x128xf32, #tpu.memory_space<vmem>>, %arg5: memref<1000x128xf32, #tpu.memory_space<vmem>>) attributes {dimension_semantics = [#tpu.dimension_semantics<arbitrary>], iteration_bounds = array<i64: 10>, scalar_prefetch = 0 : i64, scratch_operands = 0 : i64, tpu.core_type = #tpu.core_type<tc>, window_params = [{transform_indices = @transform_0, window_bounds = array<i64: 2, 1000, 16>}, {transform_indices = @transform_1, window_bounds = array<i64: 2, 1000, 64>}, {transform_indices = @transform_2, window_bounds = array<i64: 2, 1000, 64>}, {pipeline_mode = #tpu.pipeline_mode<synchronous>, transform_indices = @transform_3, window_bounds = array<i64: 1, 128>}, {transform_indices = @transform_4, window_bounds = array<i64: 1000, 128>}]} {
    %get3A = arith.constant 0 : index
    %get3A_0 = arith.constant 0 : index
    %get3A_1 = arith.constant 0 : index
    %get3A_2 = vector.load %arg1[%get3A, %get3A_0, %get3A_1] : memref<2x1000x16xf32, #tpu.memory_space<vmem>>, vector<1x1000x1xf32>
    %get3A_3 = vector.shape_cast %get3A_2 : vector<1x1000x1xf32> to vector<1000x1xf32>
    %get3A_4 = arith.constant 1 : index
    %get3A_5 = arith.constant 0 : index
    %get3A_6 = arith.constant 0 : index
    %get3A_7 = vector.load %arg1[%get3A_4, %get3A_5, %get3A_6] : memref<2x1000x16xf32, #tpu.memory_space<vmem>>, vector<1x1000x1xf32>
    %get3A_8 = vector.shape_cast %get3A_7 : vector<1x1000x1xf32> to vector<1000x1xf32>
    %add3A = arith.addf %get3A_3, %get3A_8 : vector<1000x1xf32>
    %add3A_9 = arith.constant 1.000000e+00 : f32
    %add3A_10 = vector.broadcast %add3A_9 : f32 to vector<1000x1xf32>
    %add3A_11 = arith.addf %add3A, %add3A_10 : vector<1000x1xf32>
    %rsqrt3A = math.rsqrt %add3A_11 : vector<1000x1xf32>
    %get3A_12 = arith.constant 0 : index
    %get3A_13 = arith.constant 0 : index
    %get3A_14 = arith.constant 0 : index
    %get3A_15 = vector.load %arg2[%get3A_12, %get3A_13, %get3A_14] : memref<2x1000x64xf32, #tpu.memory_space<vmem>>, vector<1x1000x64xf32>
    %get3A_16 = vector.shape_cast %get3A_15 : vector<1x1000x64xf32> to vector<1000x64xf32>
    %get3A_17 = arith.constant 0 : index
    %get3A_18 = arith.constant 0 : index
    %get3A_19 = arith.constant 0 : index
    %get3A_20 = vector.load %arg3[%get3A_17, %get3A_18, %get3A_19] : memref<2x1000x64xf32, #tpu.memory_space<vmem>>, vector<1x1000x64xf32>
    %get3A_21 = vector.shape_cast %get3A_20 : vector<1x1000x64xf32> to vector<1000x64xf32>
    %add3A_22 = arith.addf %get3A_16, %get3A_21 : vector<1000x64xf32>
    %mul3A = vector.broadcast %rsqrt3A : vector<1000x1xf32> to vector<1000x64xf32>
    %mul3A_23 = arith.mulf %mul3A, %add3A_22 : vector<1000x64xf32>
    %get3A_24 = arith.constant 1 : index
    %get3A_25 = arith.constant 0 : index
    %get3A_26 = arith.constant 0 : index
    %get3A_27 = vector.load %arg2[%get3A_24, %get3A_25, %get3A_26] : memref<2x1000x64xf32, #tpu.memory_space<vmem>>, vector<1x1000x64xf32>
    %get3A_28 = vector.shape_cast %get3A_27 : vector<1x1000x64xf32> to vector<1000x64xf32>
    %get3A_29 = arith.constant 1 : index
    %get3A_30 = arith.constant 0 : index
    %get3A_31 = arith.constant 0 : index
    %get3A_32 = vector.load %arg3[%get3A_29, %get3A_30, %get3A_31] : memref<2x1000x64xf32, #tpu.memory_space<vmem>>, vector<1x1000x64xf32>
    %get3A_33 = vector.shape_cast %get3A_32 : vector<1x1000x64xf32> to vector<1000x64xf32>
    %add3A_34 = arith.addf %get3A_28, %get3A_33 : vector<1000x64xf32>
    %mul3A_35 = vector.broadcast %rsqrt3A : vector<1000x1xf32> to vector<1000x64xf32>
    %mul3A_36 = arith.mulf %mul3A_35, %add3A_34 : vector<1000x64xf32>
    %concatenate3A = tpu.concatenate %mul3A_23, %mul3A_36 in 1 : vector<1000x64xf32>, vector<1000x64xf32> -> vector<1000x128xf32>
    %get3A_37 = arith.constant 0 : index
    %get3A_38 = arith.constant 0 : index
    %get3A_39 = vector.load %arg4[%get3A_37, %get3A_38] : memref<1x128xf32, #tpu.memory_space<vmem>>, vector<1x128xf32>
    %add3A_40 = vector.broadcast %get3A_39 : vector<1x128xf32> to vector<1000x128xf32>
    %add3A_41 = arith.addf %concatenate3A, %add3A_40 : vector<1000x128xf32>
    %swap3A = arith.constant 0 : index
    %swap3A_42 = arith.constant 0 : index
    %swap3A_43 = vector.load %arg5[%swap3A, %swap3A_42] : memref<1000x128xf32, #tpu.memory_space<vmem>>, vector<1000x128xf32>
    tpu.vector_store %arg5[%swap3A, %swap3A_42], %add3A_41 {strides = array<i32>} : memref<1000x128xf32, #tpu.memory_space<vmem>>, vector<1000x128xf32>,
    return
  }
  func.func @transform_0(%arg0: i32) -> (i32, i32, i32) {
    %c0_i32 = arith.constant 0 : i32
    %c0_i32_0 = arith.constant 0 : i32
    %c0_i32_1 = arith.constant 0 : i32
    return %c0_i32, %arg0, %c0_i32_0 : i32, i32, i32
  }
  func.func @transform_1(%arg0: i32) -> (i32, i32, i32) {
    %c0_i32 = arith.constant 0 : i32
    %c0_i32_0 = arith.constant 0 : i32
    %c0_i32_1 = arith.constant 0 : i32
    return %c0_i32, %arg0, %c0_i32_0 : i32, i32, i32
  }
  func.func @transform_2(%arg0: i32) -> (i32, i32, i32) {
    %c0_i32 = arith.constant 0 : i32
    %c0_i32_0 = arith.constant 0 : i32
    %c0_i32_1 = arith.constant 0 : i32
    return %c0_i32, %arg0, %c0_i32_0 : i32, i32, i32
  }
  func.func @transform_3(%arg0: i32) -> (i32, i32) {
    %c0_i32 = arith.constant 0 : i32
    %c0_i32_0 = arith.constant 0 : i32
    %c0_i32_1 = arith.constant 0 : i32
    return %c0_i32, %c0_i32_0 : i32, i32
  }
  func.func @transform_4(%arg0: i32) -> (i32, i32) {
    %c0_i32 = arith.constant 0 : i32
    %c0_i32_0 = arith.constant 0 : i32
    return %arg0, %c0_i32 : i32, i32
  }
}

</mosaic_0001>

<sc_bundles>
// kernel: _kernel_impl.11.cloned.1.call-start
scs
__scs_entry_jumppad:
0x0: {  	(pc) =	sbr.rel $0x88, $3  }
0x1: {  	(tag) =	ssettag $0x0;
	lr =	simm.s32 $0x1  }
0x2: {  	[smem:$0x3F9B] =	sst lr;
	_ =	strace $0xD0000000  }
0x3: {  	_ = 	snop  }
0x4: {  	_ = 	snop  }
0x5: {  	_ = 	snop  }
0x6: {  	_ = 	snop  }
0x7: {  	_ = 	snop  }
__scs_overlays_trampoline_lowered:
0x8: {  	[smem:$0x3FAA] =	sst s0  }
0x9: {  	[smem:$0x3FAB] =	sst s1  }
0xa: {  	[smem:$0x3FAC] =	sst s2  }
0xb: {  	[smem:$0x3FAD] =	sst s3  }
0xc: {  	[smem:$0x3FAE] =	sst s4  }
0xd: {  	[smem:$0x3FAF] =	sst s5  }
0xe: {  	[smem:$0x3FB0] =	sst s6  }
0xf: {  	[smem:$0x3FB1] =	sst s7  }
0x10: {  	[smem:$0x3FB2] =	sst s8  }
0x11: {  	[smem:$0x3FB3] =	sst s9;
	s0 =	simm.s32 @!p0 $0x0  }
0x12: {  	s1 =	sld [smem:$0x3F99];
	s0 =	simm.s32 @p0 $0x1  }
0x13: {  	[smem:$0x3FB4] =	sst s0;
	s0 =	simm.s32 @!p1 $0x0  }
0x14: {  	s2 =	sld [smem:$0x3F98];
	s0 =	simm.s32 @p1 $0x1  }
0x15: {  	[smem:$0x3FB5] =	sst s0;
	s0 =	simm.s32 @!p2 $0x0  }
0x16: {  	s3 =	sld [smem:$0x3FDB];
	s0 =	simm.s32 @p2 $0x1  }
0x17: {  	s4 =	simm.s32 $0x1BF5;
	[smem:$0x3FB7] =	sst s0  }
0x18: {  	s0 =	sld [smem:$0x3F9A];
	_ =	swait.ge [sflag:s4], $0x0  }
0x19: {  	s7 =	sld [smem:$0x3F9B]  }
0x1a: {  	s8 =	sadd.s32 $0xFFFFE003, lr  }
0x1b: {  	s9 =	sadd.s32 $0xFFFFFEF7, lr;
	s5 =	simm.s32 $0xFFFFFFFF;
	p2 =	slt.u32 s8, $0xFFFFF086  }
0x1c: {  	p1 =	slt.u32 s9, $0xF7A;
	s5 =	simm.s32 @!p2 $0x0  }
0x1d: {  	s5 =	simm.s32 @p1 $0x1;
	p0 =	seq.s32 s7, s2  }
0x1e: {  	s7 =	smul.u32 @!p0 $0xF7A, s2;
	p2 =	seq.s32 @!p0 s5, $0x0  }
0x1f: {  	s9 =	smul.u32 $0xF7A, s1;
	s8 =	simm.s32 @!p0 $0x1BF5;
	p2 =	por !p2, p0  }
0x20: {  	[sflag:s8] =	ssyncset.s32 @!p0 $0xFFFFF086;
	s6 =	sadd.s32 @!p0 s3, s7;
	s7 =	simm.s32 @!p0 $0x108  }
0x21: {  	s3 =	sadd.s32 s3, s9;
	s6 =	sadd.s32 @!p0 $0x88, s6;
	s7 =	simm.s32 @p2 $0x1082  }
0x22: {  	[simem:s7], [sflag:s8] =	dma.local @!p0 [hbm:s6], $0xF7A  }
0x23: {  	s9 =	sor.u32 $0xD0000000, s2;
	s6 =	simm.s32 $0x108;
	_ =	swait.ge @!p0 [sflag:s8], $0x0  }
0x24: {  	s3 =	sadd.s32 $0x88, s3;
	s6 =	simm.s32 @!p1 $0x1082;
	[sflag:s4] =	ssyncset.s32 $0xFFFFF086  }
0x25: {  	[simem:s6], [sflag:s4] =	dma.local [hbm:s3], $0xF7A  }
0x26: {  	[smem:$0x3F9B] =	sst s1;
	(tag) =	ssettag s2;
	_ =	strace s9  }
0x27: {  	s1 =	sld [smem:$0x3FAB]  }
0x28: {  	s2 =	sld [smem:$0x3FAC]  }
0x29: {  	s4 =	sld [smem:$0x3FAE]  }
0x2a: {  	p0 =	seq.s32 s5, $0x0;
	s5 =	sld [smem:$0x3FAF]  }
0x2b: {  	s6 =	sld [smem:$0x3FB0]  }
0x2c: {  	s7 =	sld [smem:$0x3FB1]  }
0x2d: {  	s3 =	simm.s32 $0x108;
	s8 =	sld [smem:$0x3FB2]  }
0x2e: {  	s3 =	simm.s32 @!p0 $0x1082;
	s9 =	sld [smem:$0x3FB3]  }
0x2f: {  	lr =	sadd.s32 s0, s3;
	s0 =	sld [smem:$0x3FAA]  }
0x30: {  	s3 =	sld [smem:$0x3FAD]  }
0x31: {  	[smem:$0x3FB6] =	sst s10  }
0x32: {  	s10 =	sld [smem:$0x3FB4];
	_ =	sdelay $0x3  }
0x33: {  	p0 =	seq.s32 s10, $0x1;
	s10 =	sld [smem:$0x3FB6];
	_ =	sdelay $0x3  }
0x34: {  	[smem:$0x3FB6] =	sst s10  }
0x35: {  	s10 =	sld [smem:$0x3FB5];
	_ =	sdelay $0x3  }
0x36: {  	p1 =	seq.s32 s10, $0x1;
	s10 =	sld [smem:$0x3FB6];
	_ =	sdelay $0x3  }
0x37: {  	[smem:$0x3FB6] =	sst s10  }
0x38: {  	s10 =	sld [smem:$0x3FB7]  }
0x39: {  	_ = 	snop;
	(pc) =	sbr.ind lr, $3  }
0x3a: {  	_ = 	snop  }
0x3b: {  	_ = 	snop  }
0x3c: {  	p2 =	seq.s32 s10, $0x1;
	s10 =	sld [smem:$0x3FB6]  }
0x3d: {  	_ =	shalt  }
0x3e: {  	_ =	shalt  }
0x3f: {  	_ =	shalt  }
0x40: {  	_ =	shalt  }
0x41: {  	_ =	shalt  }
0x42: {  	_ =	shalt  }
0x43: {  	_ =	shalt  }
0x44: {  	_ =	shalt  }
0x45: {  	_ =	shalt  }
0x46: {  	_ =	shalt  }
0x47: {  	_ =	shalt  }
0x48: {  	_ =	shalt  }
0x49: {  	_ =	shalt  }
0x4a: {  	_ =	shalt  }
0x4b: {  	_ =	shalt  }
0x4c: {  	_ =	shalt  }
0x4d: {  	_ =	shalt  }
0x4e: {  	_ =	shalt  }
0x4f: {  	_ =	shalt  }
0x50: {  	_ =	shalt  }
0x51: {  	_ =	shalt  }
0x52: {  	_ =	shalt  }
0x53: {  	_ =	shalt  }
0x54: {  	_ =	shalt  }
0x55: {  	_ =	shalt  }
0x56: {  	_ =	shalt  }
0x57: {  	_ =	shalt  }
0x58: {  	_ =	shalt  }
0x59: {  	_ =	shalt  }
0x5a: {  	_ =	shalt  }
0x5b: {  	_ =	shalt  }
0x5c: {  	_ =	shalt  }
0x5d: {  	_ =	shalt  }
0x5e: {  	_ =	shalt  }
0x5f: {  	_ =	shalt  }
0x60: {  	_ =	shalt  }
0x61: {  	_ =	shalt  }
0x62: {  	_ =	shalt  }
0x63: {  	_ =	shalt  }
0x64: {  	_ =	shalt  }
0x65: {  	_ =	shalt  }
0x66: {  	_ =	shalt  }
0x67: {  	_ =	shalt  }
0x68: {  	_ =	shalt  }
0x69: {  	_ =	shalt  }
0x6a: {  	_ =	shalt  }
0x6b: {  	_ =	shalt  }
0x6c: {  	_ =	shalt  }
0x6d: {  	_ =	shalt  }
0x6e: {  	_ =	shalt  }
0x6f: {  	_ =	shalt  }
0x70: {  	_ =	shalt  }
0x71: {  	_ =	shalt  }
0x72: {  	_ =	shalt  }
0x73: {  	_ =	shalt  }
0x74: {  	_ =	shalt  }
0x75: {  	_ =	shalt  }
0x76: {  	_ =	shalt  }
0x77: {  	_ =	shalt  }
0x78: {  	_ =	shalt  }
0x79: {  	_ =	shalt  }
0x7a: {  	_ =	shalt  }
0x7b: {  	_ =	shalt  }
0x7c: {  	_ =	shalt  }
0x7d: {  	_ =	shalt  }
0x7e: {  	_ =	shalt  }
0x7f: {  	_ =	shalt  }
0x80: {  	_ =	shalt  }
0x81: {  	_ =	shalt  }
0x82: {  	_ =	shalt  }
0x83: {  	_ =	shalt  }
0x84: {  	_ =	shalt  }
0x85: {  	_ =	shalt  }
0x86: {  	_ =	shalt  }
0x87: {  	_ =	shalt  }
.Lfunc_end0:
.L_simem_size_0:
called_computation.1_lowered:
.L_overlay_start_0:
0x88: {  	s2 =	sld [smem:$0x3FD9]  }
0x89: {  	s3 =	sld [smem:$0x3FFE];
	_ =	sdelay $0x1  }
0x8a: {  	s1 =	srdreg.scid  }
0x8b: {  	s0 =	sand.u32 $0x1, s1  }
0x8c: {  	s16 =	sshll.u32 s0, $0xA;
	s2 =	sadd.s32 s3, s2  }
0x8d: {  	s2 =	sadd.s32 s2, s16  }
0x8e: {  	[smem:$0x3FC2] =	sst s2  }
0x8f: {  	_ = 	snop  }
0x90: {  	(tm) =	ssettm $0x1  }
0x91: {  	s17 =	sld [smem:$0x3FFB];
	_ =	sdelay $0x3  }
0x92: {  	_ =	strace s17  }
0x93: {  	s2 =	sld [smem:$0x3FFC];
	_ =	sdelay $0x3  }
0x94: {  	_ =	strace s2  }
0x95: {  	s2 =	sld [smem:$0x3FFD];
	_ =	sdelay $0x3  }
0x96: {  	_ =	strace s2  }
0x97: {  	_ =	strace $0x8FFFFFFF  }
0x98: {  	s18 =	sld [smem:$0x3FDB];
	_ =	sdelay $0x1  }
0x99: {  	s19 =	simm.s32 $_scs_section_size  }
0x9a: {  	s4 =	simm.s32 $_size__tile_overlayer_lowered;
	s5 =	simm.s32 $_tile_overlayer_lowered  }
0x9b: {  	s22 =	simm.s32 $0x1BFF;
	s21 =	sshll.u32 s5, $0x1;
	s2 =	sadd.s32 s19, s18  }
0x9c: {  	s6 =	simm.s32 $0x0;
	s20 =	sshll.u32 s4, $0x1;
	s4 =	sadd.s32 s21, s2  }
0x9d: {  	[timem:s6], [sflag:s22] =	dma.local [hbm:s4], s20  }
0x9e: {  	_ =	swait.ge [sflag:s22], s20  }
0x9f: {  	s3 =	ssub.s32 $0x0, s20;
	[sflag:s22] =	ssyncset.done $0x0  }
0xa0: {  	[sflag:s22] =	ssyncadd.s32 s3;
	_ =	sdelay $0x1  }
0xa1: {  	s23 =	simm.s32 $0x1B8B  }
0xa2: {  	_ =	swait.ge [sflag:s23], $0x1  }
0xa3: {  	[sflag:s23] =	ssyncset.done $0x0  }
0xa4: {  	s25 =	simm.s32 $0x1B8E;
	s24 =	sld [smem:$0x3FFE];
	[sflag:s23] =	ssyncadd.s32 $0xFFFFFFFF  }
0xa5: {  	s26 =	simm.s32 $execute0_lowered;
	[smem:$0x3FD2] =	sst s25  }
0xa6: {  	s4 =	sshll.u32 s26, $0x1;
	_ =	strace $0x80000049;
	[dreg:$0x1] =	wrdreg $0xFFFFFFFF  }
0xa7: {  	s28 =	simm.s32 $_size_execute0_lowered;
	s2 =	sadd.s32 s2, s4;
	[dreg:$0x0] =	wrdreg $0x0  }
0xa8: {  	s4 =	sshll.u32 s28, $0x1;
	[dreg:$0x2] =	wrdreg s2  }
0xa9: {  	[dreg:$0x3] =	wrdreg s4  }
0xaa: {  	[dreg:$0x4] =	wrdreg $0xC0  }
0xab: {  	_ =	task [dreg:s6], $0x5FFFF  }
0xac: {  	[dreg:$0x1] =	wrdreg $0xFFFFFFFF  }
0xad: {  	[dreg:$0x0] =	wrdreg $0x60  }
0xae: {  	[dreg:$0x2] =	wrdreg s24  }
0xaf: {  	[dreg:$0x3] =	wrdreg $0xDE000  }
0xb0: {  	[dreg:$0x4] =	wrdreg $0x9  }
0xb1: {  	_ =	task.clear_ibuf [dreg:s6], $0x5FFFF;
	_ =	strace $0x90000049  }
0xb2: {  	s29 =	simm.s32 $0x9;
	_ =	strace $0x8000004B  }
0xb3: {  	_ =	swait.ge [sflag:s29], $0x1  }
0xb4: {  	[sflag:s29] =	ssyncadd.s32 $0xFFFFFFFF  }
0xb5: {  	_ =	strace $0x9000004B  }
0xb6: {  	_ =	sfence  }
0xb7: {  	s30 =	sld [smem:$0x0];
	_ =	sdelay $0x2  }
0xb8: {  	s31 =	sshll.u32 s1, $0xD;
	s1 =	sshrl.u32 s1, $0x2  }
0xb9: {  	s3 =	sand.u32 $0x4000, s31;
	s1 =	sadd.s32 s1, s30  }
0xba: {  	s0 =	sor.u32 s3, s0;
	s1 =	sshll.u32 s1, $0x11  }
0xbb: {  	s0 =	sor.u32 s1, s0  }
0xbc: {  	s0 =	sadd.s32 $0x8F2B, s0  }
0xbd: {  	[sflag:s0] =	ssyncadd.remote.s32 $0x1  }
0xbe: {  	_ =	sfence.sel $0xFFFF  }
0xbf: {  	[dreg:$0x0] =	wrdreg $0xFFFFFFFF;
	(pc) =	sbr.abs _section_cstart, $3  }
0xc0: {  	[dreg:$0x1] =	wrdreg $0xFFFFFFFF  }
0xc1: {  	_ =	task.clear_ibuf [dreg:s6], $0x2FFFF;
	_ =	strace $0x9FFFFFFF  }
0xc2: {  	(tm) =	ssettm $0x7FFFFFFF  }
0xc3: {  	_ =	shalt  }
tec
execute0_lowered:
.L_overlay_start_1:
0x0: {  	(tag) =	ssettag $0x1  }
0x1: {  	s4 =	rddreg [dreg:$0x0]  }
0x2: {  	s0 =	srdreg.scid;
	s2 =	rddreg [dreg:$0x1]  }
0x3: {  	s3 =	simm.s32 $0x0;
	s1 =	stileid.u32;
	s16 =	simm.s32 $0x3  }
0x4: {  	s18 =	simm.s32 $0x4F00;
	s19 =	simm.s32 $0x7680;
	s20 =	simm.s32 $0x9E00  }
0x5: {  	s21 =	simm.s32 $0x80;
	s22 =	simm.s32 $0xBE00;
	s23 =	simm.s32 $0x1  }
0x6: {  	s24 =	simm.s32 $0x2;
	s25 =	simm.s32 $0x4E80;
	s8 =	smul.u32 $0x9E00, s1  }
0x7: {  	s26 =	simm.s32 $0x9D00;
	s28 =	simm.s32 $0x9D80;
	s9 =	smul.u32 $0x4F00, s1  }
0x8: {  	s29 =	simm.s32 $0x0;
	s0 =	sand.u32 $0x1, s0;
	s10 =	smul.u32 $0x9E0, s1  }
0x9: {  	[smem:$0x7FF] =	sst s3;
	s30 =	sadd.s32 $0x5B400, s4;
	s12 =	smul.u32 $0x27800, s1  }
0xa: {  	s7 =	sadd.s32 $0x2600, s4;
	s5 =	smul.u32 $0x9E000, s0;
	s0 =	ssub.s32 $0x2, s0  }
0xb: {  	_ =	strace $0x8000004A;
	s11 =	sshrl.u32 s0, $0x1;
	s9 =	sshrl.u32 s9, $0x3  }
0xc: {  	s31 =	sshrl.u32 s12, $0x2;
	s6 =	sshrl.u32 s5, $0x3;
	s5 =	sadd.s32 s8, s5  }
0xd: {  	s0 =	ssub.s32 s0, s11;
	s9 =	sadd.s32 $0x4F0, s9;
	s12 =	sadd.s32 s31, s2  }
0xe: {  	s8 =	sadd.s32 s8, s2;
	s13 =	sadd.s32 s6, s4;
	s5 =	sshrl.u32 s5, $0x3  }
0xf: {  	s6 =	sadd.s32 s7, s10;
	s7 =	sadd.s32 s7, s9;
	s11 =	sadd.s32 $0x6000, s12  }
0x10: {  	s15 =	smax.u32 s0, $0x1;
	s14 =	sadd.s32 s5, s4;
	s4 =	sadd.s32 s30, s10  }
0x11: {  	s5 =	sadd.s32 s30, s9;
	s9 =	sadd.s32 $0x2000, s12;
	s10 =	sadd.s32 $0x4000, s12  }
0x12: {  	v0 =	vimm.f32 $0.0e+00;
	s12 =	sadd.s32 $0x8000, s12;
	s13 =	sadd.s32 $0xB4200, s13;
	s14 =	sadd.s32 $0xDBA00, s14  }
.LBB2_1:
0x13: {  	[tilespmem:s3], [sflag:$0x3] =	stream.linear.gather [hbm4b:s4+s3], $0x2780, $0x38;
	[tilespmem:$0x17C00] =	vst v63  }
0x14: {  	_ =	swait.ge [sflag:s16], $0x2780  }
0x15: {  	[sflag:s16] =	ssyncset.done $0x0  }
0x16: {  	s0 =	simm.s32 $0x2780;
	[sflag:s16] =	ssyncadd.s32 $0xFFFFD880  }
0x17: {  	[tilespmem:s0], [sflag:$0x3] =	stream.linear.gather [hbm4b:s5+s3], $0x2780, $0x38;
	[tilespmem:$0x17C00] =	vst v63  }
0x18: {  	_ =	swait.ge [sflag:s16], $0x2780  }
0x19: {  	[sflag:s16] =	ssyncset.done $0x0  }
0x1a: {  	[sflag:s16] =	ssyncadd.s32 $0xFFFFD880  }
0x1b: {  	[tilespmem:s18], [sflag:$0x3] =	stream.linear.gather [hbm4b:s6+s3], $0x2780, $0x38;
	[tilespmem:$0x17C00] =	vst v63  }
0x1c: {  	_ =	swait.ge [sflag:s16], $0x2780  }
0x1d: {  	[sflag:s16] =	ssyncset.done $0x0  }
0x1e: {  	[sflag:s16] =	ssyncadd.s32 $0xFFFFD880  }
0x1f: {  	[tilespmem:s19], [sflag:$0x3] =	stream.linear.gather [hbm4b:s7+s3], $0x2780, $0x38;
	[tilespmem:$0x17C00] =	vst v63  }
0x20: {  	s17 =	sand.u32 $0x7F00, s3;
	s31 =	sand.u32 $0x30, s3;
	_ =	swait.ge [sflag:s16], $0x2780  }
0x21: {  	s30 =	simm.s32 $0x40;
	s0 =	sshrl.u32 s17, $0x2;
	[sflag:s16] =	ssyncset.done $0x0  }
0x22: {  	s0 =	sor.u32 s31, s0;
	s31 =	simm.s32 $0x0;
	[sflag:s16] =	ssyncadd.s32 $0xFFFFD880  }
.LBB2_2:
0x23: {  	p0 =	sne.s32 s30, $0x7FC0  }
0x24: {  	[tilespmem:s0+$0x9E00] =	vst v0;
	s31 =	sadd.s32 $0x10, s31;
	s0 =	smov.u32 s30;
	s30 =	sadd.s32 $0x40, s30  }
.Ltmp0:
0x25: {  	(pc) =	sbr.rel @p0 .LBB2_2-.Ltmp0, $4  }
0x26: {  	_ = 	snop  }
0x27: {  	s0 =	sand.u32 $0x7F00, s0  }
0x28: {  	s1 =	sand.u32 $0x30, s31;
	s0 =	sshrl.u32 s0, $0x2  }
0x29: {  	s0 =	sor.u32 s1, s0  }
0x2a: {  	[tilespmem:s0+$0x9E00] =	vst v0  }
0x2b: {  	[spmem:s8] =	stream.linear.scatter [tilespmem:s20], [sflag:$0x3], $0x2000, $0x38;
	[tilespmem:$0x17C00] =	vst v63  }
0x2c: {  	_ =	swait.ge [sflag:s16], $0x2000  }
0x2d: {  	[sflag:s16] =	ssyncset.done $0x0  }
0x2e: {  	[sflag:s16] =	ssyncadd.s32 $0xFFFFE000  }
0x2f: {  	[spmem:s9] =	stream.linear.scatter [tilespmem:s20], [sflag:$0x3], $0x2000, $0x38;
	[tilespmem:$0x17C00] =	vst v63  }
0x30: {  	_ =	swait.ge [sflag:s16], $0x2000  }
0x31: {  	[sflag:s16] =	ssyncset.done $0x0  }
0x32: {  	[sflag:s16] =	ssyncadd.s32 $0xFFFFE000  }
0x33: {  	[spmem:s10] =	stream.linear.scatter [tilespmem:s20], [sflag:$0x3], $0x2000, $0x38;
	[tilespmem:$0x17C00] =	vst v63  }
0x34: {  	_ =	swait.ge [sflag:s16], $0x2000  }
0x35: {  	[sflag:s16] =	ssyncset.done $0x0  }
0x36: {  	[sflag:s16] =	ssyncadd.s32 $0xFFFFE000  }
0x37: {  	[spmem:s11] =	stream.linear.scatter [tilespmem:s20], [sflag:$0x3], $0x2000, $0x38;
	[tilespmem:$0x17C00] =	vst v63  }
0x38: {  	_ =	swait.ge [sflag:s16], $0x2000  }
0x39: {  	[sflag:s16] =	ssyncset.done $0x0  }
0x3a: {  	[sflag:s16] =	ssyncadd.s32 $0xFFFFE000  }
0x3b: {  	[spmem:s12] =	stream.linear.scatter [tilespmem:s20], [sflag:$0x3], $0x1E00, $0x38;
	[tilespmem:$0x17C00] =	vst v63  }
0x3c: {  	_ =	swait.ge [sflag:s16], $0x1E00  }
0x3d: {  	[sflag:s16] =	ssyncset.done $0x0  }
0x3e: {  	[sflag:s16] =	ssyncadd.s32 $0xFFFFE200  }
0x3f: {  	s17 =	simm.s32 $0x0;
	[bflag:$0x0] =	sbarrier.arrive $0xFFFF  }
0x40: {  	[tilespmem:s20], [sflag:$0x1] =	stream.indirect.gather [hbm4b:s13+s21], $0x40, s17, s21, $0xb8;
	[tilespmem:$0x17C00] =	vst v63  }
0x41: {  	s1 =	simm.s32 $0x80  }
0x42: {  	[tilespmem:s22], [sflag:$0x2] =	stream.indirect.gather [hbm4b:s13+s21], $0x40, s1, s21, $0xb8;
	[tilespmem:$0x17C00] =	vst v63  }
0x43: {  	_ =	swait.ge [sflag:s23], $0x2000  }
0x44: {  	[sflag:s23] =	ssyncset.done $0x0  }
0x45: {  	s17 =	simm.s32 $0x4F00;
	[sflag:s23] =	ssyncadd.s32 $0xFFFFE000  }
0x46: {  	[spmem:s2] =	stream.indirect.scatter.add.f32 [tilespmem:s20], [sflag:$0x3], $0x40, s17, s21, $0xb8;
	[tilespmem:$0x17C00] =	vst v63  }
0x47: {  	_ =	swait.ge [sflag:s16], $0x2000  }
0x48: {  	[sflag:s16] =	ssyncset.done $0x0  }
0x49: {  	s1 =	simm.s32 $0x100;
	[sflag:s16] =	ssyncadd.s32 $0xFFFFE000  }
0x4a: {  	[tilespmem:s20], [sflag:$0x1] =	stream.indirect.gather [hbm4b:s13+s21], $0x40, s1, s21, $0xb8;
	[tilespmem:$0x17C00] =	vst v63  }
0x4b: {  	_ =	swait.ge [sflag:s24], $0x2000  }
0x4c: {  	[sflag:s24] =	ssyncset.done $0x0  }
0x4d: {  	s17 =	simm.s32 $0x4F80;
	[sflag:s24] =	ssyncadd.s32 $0xFFFFE000  }
0x4e: {  	[spmem:s2] =	stream.indirect.scatter.add.f32 [tilespmem:s22], [sflag:$0x3], $0x40, s17, s21, $0xb8;
	[tilespmem:$0x17C00] =	vst v63  }
0x4f: {  	_ =	swait.ge [sflag:s16], $0x2000  }
0x50: {  	s31 =	simm.s32 $0x800;
	s30 =	simm.s32 $0x100;
	[sflag:s16] =	ssyncset.done $0x0  }
.LBB2_4:
0x51: {  	s0 =	sadd.s32 $0x80, s30  }
0x52: {  	[sflag:s16] =	ssyncadd.s32 $0xFFFFE000;
	s1 =	smov.u32 s31;
	s17 =	sadd.s32 $0x400, s31  }
0x53: {  	[tilespmem:s22], [sflag:$0x2] =	stream.indirect.gather [hbm4b:s13+s21], $0x40, s0, s21, $0xb8;
	[tilespmem:$0x17C00] =	vst v63  }
0x54: {  	p0 =	sne.s32 s31, $0x13400;
	_ =	swait.ge [sflag:s23], $0x2000  }
0x55: {  	[sflag:s23] =	ssyncset.done $0x0  }
0x56: {  	s0 =	sadd.s32 $0x4F00, s30;
	[sflag:s23] =	ssyncadd.s32 $0xFFFFE000  }
0x57: {  	[spmem:s2] =	stream.indirect.scatter.add.f32 [tilespmem:s20], [sflag:$0x3], $0x40, s0, s21, $0xb8;
	[tilespmem:$0x17C00] =	vst v63  }
0x58: {  	_ =	swait.ge [sflag:s16], $0x2000  }
0x59: {  	[sflag:s16] =	ssyncset.done $0x0  }
0x5a: {  	s0 =	sadd.s32 $0x100, s30;
	[sflag:s16] =	ssyncadd.s32 $0xFFFFE000  }
0x5b: {  	[tilespmem:s20], [sflag:$0x1] =	stream.indirect.gather [hbm4b:s13+s21], $0x40, s0, s21, $0xb8;
	[tilespmem:$0x17C00] =	vst v63  }
0x5c: {  	_ =	swait.ge [sflag:s24], $0x2000  }
.Ltmp1:
0x5d: {  	[sflag:s24] =	ssyncset.done $0x0;
	(pc) =	sbr.rel @p0 .LBB2_4-.Ltmp1, $4  }
0x5e: {  	s0 =	sadd.s32 $0x4F80, s30;
	[sflag:s24] =	ssyncadd.s32 $0xFFFFE000  }
0x5f: {  	[spmem:s2] =	stream.indirect.scatter.add.f32 [tilespmem:s22], [sflag:$0x3], $0x40, s0, s21, $0xb8;
	[tilespmem:$0x17C00] =	vst v63  }
0x60: {  	_ =	swait.ge [sflag:s16], $0x2000  }
0x61: {  	s31 =	smov.u32 s17;
	s30 =	sshra.s32 s1, $0x2;
	[sflag:s16] =	ssyncset.done $0x0  }
0x62: {  	s0 =	sadd.s32 $0x80, s30;
	[sflag:s16] =	ssyncadd.s32 $0xFFFFE000  }
0x63: {  	[tilespmem:s22], [sflag:$0x2] =	stream.indirect.gather [hbm4b:s13+s21], $0x40, s0, s21, $0xb8;
	[tilespmem:$0x17C00] =	vst v63  }
0x64: {  	_ =	swait.ge [sflag:s23], $0x2000  }
0x65: {  	[sflag:s23] =	ssyncset.done $0x0  }
0x66: {  	s1 =	sadd.s32 $0x4F00, s30;
	[sflag:s23] =	ssyncadd.s32 $0xFFFFE000  }
0x67: {  	[spmem:s2] =	stream.indirect.scatter.add.f32 [tilespmem:s20], [sflag:$0x3], $0x40, s1, s21, $0xb8;
	[tilespmem:$0x17C00] =	vst v63  }
0x68: {  	_ =	swait.ge [sflag:s16], $0x2000  }
0x69: {  	[sflag:s16] =	ssyncset.done $0x0  }
0x6a: {  	s17 =	sadd.s32 $0x100, s30;
	[sflag:s16] =	ssyncadd.s32 $0xFFFFE000  }
0x6b: {  	[tilespmem:s20], [sflag:$0x1] =	stream.indirect.gather [hbm4b:s13+s21], $0x40, s17, s21, $0xb8;
	[tilespmem:$0x17C00] =	vst v63  }
0x6c: {  	_ =	swait.ge [sflag:s24], $0x2000  }
0x6d: {  	[sflag:s24] =	ssyncset.done $0x0  }
0x6e: {  	s30 =	sadd.s32 $0x4F80, s30;
	[sflag:s24] =	ssyncadd.s32 $0xFFFFE000  }
0x6f: {  	[spmem:s2] =	stream.indirect.scatter.add.f32 [tilespmem:s22], [sflag:$0x3], $0x40, s30, s21, $0xb8;
	[tilespmem:$0x17C00] =	vst v63  }
0x70: {  	_ =	swait.ge [sflag:s16], $0x2000  }
0x71: {  	[sflag:s16] =	ssyncset.done $0x0  }
0x72: {  	[sflag:s16] =	ssyncadd.s32 $0xFFFFE000  }
0x73: {  	[tilespmem:s22], [sflag:$0x2] =	stream.indirect.gather [hbm4b:s13+s21], $0x40, s25, s21, $0xb8;
	[tilespmem:$0x17C00] =	vst v63  }
0x74: {  	_ =	swait.ge [sflag:s23], $0x2000  }
0x75: {  	[sflag:s23] =	ssyncset.done $0x0  }
0x76: {  	[sflag:s23] =	ssyncadd.s32 $0xFFFFE000  }
0x77: {  	[spmem:s2] =	stream.indirect.scatter.add.f32 [tilespmem:s20], [sflag:$0x3], $0x40, s26, s21, $0xb8;
	[tilespmem:$0x17C00] =	vst v63  }
0x78: {  	_ =	swait.ge [sflag:s16], $0x2000  }
0x79: {  	[sflag:s16] =	ssyncset.done $0x0  }
0x7a: {  	[sflag:s16] =	ssyncadd.s32 $0xFFFFE000  }
0x7b: {  	_ =	swait.ge [sflag:s24], $0x2000  }
0x7c: {  	[sflag:s24] =	ssyncset.done $0x0  }
0x7d: {  	[sflag:s24] =	ssyncadd.s32 $0xFFFFE000  }
0x7e: {  	[spmem:s2] =	stream.indirect.scatter.add.f32 [tilespmem:s22], [sflag:$0x3], $0x40, s28, s21, $0xb8;
	[tilespmem:$0x17C00] =	vst v63  }
0x7f: {  	s31 =	stileid.u32;
	_ =	swait.ge [sflag:s16], $0x2000  }
0x80: {  	s29 =	sadd.s32 $0x1, s29;
	s0 =	sshll.u32 s31, $0x6;
	[sflag:s16] =	ssyncset.done $0x0  }
0x81: {  	p0 =	sne.s32 s29, s15;
	s0 =	sor.u32 $0x1C03, s0;
	[sflag:s16] =	ssyncadd.s32 $0xFFFFE000  }
.Ltmp2:
0x82: {  	s1 =	sshrl.u32 s8, $0x3;
	[bflag:$0x0] =	sbarrier.arrive $0xFFFF;
	(pc) =	sbr.rel @p0 .LBB2_1-.Ltmp2, $4  }
0x83: {  	[hbm:s14], [sflag:s0] =	dma.local [spmem:s1], $0x13C0  }
0x84: {  	_ =	swait.ge [sflag:s16], $0x13C0  }
0x85: {  	[sflag:s16] =	ssyncset.done $0x0  }
0x86: {  	[sflag:s16] =	ssyncadd.s32 $0xFFFFEC40  }
0x87: {  	_ =	sfence.sel $0x180000  }
0x88: {  	[bflag:$0x0] =	sbarrier.arrive $0xFFFF  }
0x89: {  	_ =	strace $0x9000004A  }
0x8a: {  	s0 =	stileid.u32;
	[bflag:$0x2] =	sbarrier.arrive $0xFFFF  }
0x8b: {  	p0 =	sne.s32 s0, $0x0;
	s0 =	rddreg [dreg:$0x2]  }
0x8c: {  	s0 =	sadd.s32 @!p0 $0x100000, s0  }
0x8d: {  	[sflag:s0] =	ssyncadd.tile.s32 @!p0 $0x1;
	_ =	shalt  }
.Lfunc_end2:
_tile_overlayer_lowered:
.L_overlay_start_2:
0x8e: {  	(tag) =	ssettag $0x2  }
0x8f: {  	s0 =	rddreg [dreg:$0x0];
	s2 =	stileid.u32  }
0x90: {  	s1 =	rddreg [dreg:$0x1];
	p0 =	sne.s32 s2, $0x0  }
0x91: {  	s3 =	rddreg [dreg:$0x2];
	[bflag:$0x3] =	sbarrier.arrive $0xFFFF;
	s2 =	simm.s32 @!p0 $0x1C03  }
0x92: {  	[timem:s3], [sflag:s2] =	dma.local @!p0 [hbm:s0], s1  }
0x93: {  	s0 =	simm.s32 @!p0 $0x3  }
0x94: {  	_ =	swait.ge @!p0 [sflag:s0], s1  }
0x95: {  	s1 =	ssub.s32 @!p0 $0x0, s1;
	[sflag:s0] =	ssyncset.done @!p0 $0x0  }
0x96: {  	[sflag:s0] =	ssyncadd.s32 @!p0 s1  }
0x97: {  	[bflag:$0x3] =	sbarrier.arrive $0xFFFF  }
0x98: {  	_ =	shalt  }

// kernel: _kernel_impl.14.cloned.1.call-start
scs
__scs_entry_jumppad:
0x0: {  	(pc) =	sbr.rel $0x88, $3  }
0x1: {  	(tag) =	ssettag $0x0;
	lr =	simm.s32 $0x1  }
0x2: {  	[smem:$0x3F9B] =	sst lr;
	_ =	strace $0xD0000000  }
0x3: {  	_ = 	snop  }
0x4: {  	_ = 	snop  }
0x5: {  	_ = 	snop  }
0x6: {  	_ = 	snop  }
0x7: {  	_ = 	snop  }
__scs_overlays_trampoline_lowered:
0x8: {  	[smem:$0x3FAA] =	sst s0  }
0x9: {  	[smem:$0x3FAB] =	sst s1  }
0xa: {  	[smem:$0x3FAC] =	sst s2  }
0xb: {  	[smem:$0x3FAD] =	sst s3  }
0xc: {  	[smem:$0x3FAE] =	sst s4  }
0xd: {  	[smem:$0x3FAF] =	sst s5  }
0xe: {  	[smem:$0x3FB0] =	sst s6  }
0xf: {  	[smem:$0x3FB1] =	sst s7  }
0x10: {  	[smem:$0x3FB2] =	sst s8  }
0x11: {  	[smem:$0x3FB3] =	sst s9;
	s0 =	simm.s32 @!p0 $0x0  }
0x12: {  	s1 =	sld [smem:$0x3F99];
	s0 =	simm.s32 @p0 $0x1  }
0x13: {  	[smem:$0x3FB4] =	sst s0;
	s0 =	simm.s32 @!p1 $0x0  }
0x14: {  	s2 =	sld [smem:$0x3F98];
	s0 =	simm.s32 @p1 $0x1  }
0x15: {  	[smem:$0x3FB5] =	sst s0;
	s0 =	simm.s32 @!p2 $0x0  }
0x16: {  	s3 =	sld [smem:$0x3FDB];
	s0 =	simm.s32 @p2 $0x1  }
0x17: {  	s4 =	simm.s32 $0x1BF5;
	[smem:$0x3FB7] =	sst s0  }
0x18: {  	s0 =	sld [smem:$0x3F9A];
	_ =	swait.ge [sflag:s4], $0x0  }
0x19: {  	s7 =	sld [smem:$0x3F9B]  }
0x1a: {  	s8 =	sadd.s32 $0xFFFFE003, lr  }
0x1b: {  	s9 =	sadd.s32 $0xFFFFFEF7, lr;
	s5 =	simm.s32 $0xFFFFFFFF;
	p2 =	slt.u32 s8, $0xFFFFF086  }
0x1c: {  	p1 =	slt.u32 s9, $0xF7A;
	s5 =	simm.s32 @!p2 $0x0  }
0x1d: {  	s5 =	simm.s32 @p1 $0x1;
	p0 =	seq.s32 s7, s2  }
0x1e: {  	s7 =	smul.u32 @!p0 $0xF7A, s2;
	p2 =	seq.s32 @!p0 s5, $0x0  }
0x1f: {  	s9 =	smul.u32 $0xF7A, s1;
	s8 =	simm.s32 @!p0 $0x1BF5;
	p2 =	por !p2, p0  }
0x20: {  	[sflag:s8] =	ssyncset.s32 @!p0 $0xFFFFF086;
	s6 =	sadd.s32 @!p0 s3, s7;
	s7 =	simm.s32 @!p0 $0x108  }
0x21: {  	s3 =	sadd.s32 s3, s9;
	s6 =	sadd.s32 @!p0 $0x88, s6;
	s7 =	simm.s32 @p2 $0x1082  }
0x22: {  	[simem:s7], [sflag:s8] =	dma.local @!p0 [hbm:s6], $0xF7A  }
0x23: {  	s9 =	sor.u32 $0xD0000000, s2;
	s6 =	simm.s32 $0x108;
	_ =	swait.ge @!p0 [sflag:s8], $0x0  }
0x24: {  	s3 =	sadd.s32 $0x88, s3;
	s6 =	simm.s32 @!p1 $0x1082;
	[sflag:s4] =	ssyncset.s32 $0xFFFFF086  }
0x25: {  	[simem:s6], [sflag:s4] =	dma.local [hbm:s3], $0xF7A  }
0x26: {  	[smem:$0x3F9B] =	sst s1;
	(tag) =	ssettag s2;
	_ =	strace s9  }
0x27: {  	s1 =	sld [smem:$0x3FAB]  }
0x28: {  	s2 =	sld [smem:$0x3FAC]  }
0x29: {  	s4 =	sld [smem:$0x3FAE]  }
0x2a: {  	p0 =	seq.s32 s5, $0x0;
	s5 =	sld [smem:$0x3FAF]  }
0x2b: {  	s6 =	sld [smem:$0x3FB0]  }
0x2c: {  	s7 =	sld [smem:$0x3FB1]  }
0x2d: {  	s3 =	simm.s32 $0x108;
	s8 =	sld [smem:$0x3FB2]  }
0x2e: {  	s3 =	simm.s32 @!p0 $0x1082;
	s9 =	sld [smem:$0x3FB3]  }
0x2f: {  	lr =	sadd.s32 s0, s3;
	s0 =	sld [smem:$0x3FAA]  }
0x30: {  	s3 =	sld [smem:$0x3FAD]  }
0x31: {  	[smem:$0x3FB6] =	sst s10  }
0x32: {  	s10 =	sld [smem:$0x3FB4];
	_ =	sdelay $0x3  }
0x33: {  	p0 =	seq.s32 s10, $0x1;
	s10 =	sld [smem:$0x3FB6];
	_ =	sdelay $0x3  }
0x34: {  	[smem:$0x3FB6] =	sst s10  }
0x35: {  	s10 =	sld [smem:$0x3FB5];
	_ =	sdelay $0x3  }
0x36: {  	p1 =	seq.s32 s10, $0x1;
	s10 =	sld [smem:$0x3FB6];
	_ =	sdelay $0x3  }
0x37: {  	[smem:$0x3FB6] =	sst s10  }
0x38: {  	s10 =	sld [smem:$0x3FB7]  }
0x39: {  	_ = 	snop;
	(pc) =	sbr.ind lr, $3  }
0x3a: {  	_ = 	snop  }
0x3b: {  	_ = 	snop  }
0x3c: {  	p2 =	seq.s32 s10, $0x1;
	s10 =	sld [smem:$0x3FB6]  }
0x3d: {  	_ =	shalt  }
0x3e: {  	_ =	shalt  }
0x3f: {  	_ =	shalt  }
0x40: {  	_ =	shalt  }
0x41: {  	_ =	shalt  }
0x42: {  	_ =	shalt  }
0x43: {  	_ =	shalt  }
0x44: {  	_ =	shalt  }
0x45: {  	_ =	shalt  }
0x46: {  	_ =	shalt  }
0x47: {  	_ =	shalt  }
0x48: {  	_ =	shalt  }
0x49: {  	_ =	shalt  }
0x4a: {  	_ =	shalt  }
0x4b: {  	_ =	shalt  }
0x4c: {  	_ =	shalt  }
0x4d: {  	_ =	shalt  }
0x4e: {  	_ =	shalt  }
0x4f: {  	_ =	shalt  }
0x50: {  	_ =	shalt  }
0x51: {  	_ =	shalt  }
0x52: {  	_ =	shalt  }
0x53: {  	_ =	shalt  }
0x54: {  	_ =	shalt  }
0x55: {  	_ =	shalt  }
0x56: {  	_ =	shalt  }
0x57: {  	_ =	shalt  }
0x58: {  	_ =	shalt  }
0x59: {  	_ =	shalt  }
0x5a: {  	_ =	shalt  }
0x5b: {  	_ =	shalt  }
0x5c: {  	_ =	shalt  }
0x5d: {  	_ =	shalt  }
0x5e: {  	_ =	shalt  }
0x5f: {  	_ =	shalt  }
0x60: {  	_ =	shalt  }
0x61: {  	_ =	shalt  }
0x62: {  	_ =	shalt  }
0x63: {  	_ =	shalt  }
0x64: {  	_ =	shalt  }
0x65: {  	_ =	shalt  }
0x66: {  	_ =	shalt  }
0x67: {  	_ =	shalt  }
0x68: {  	_ =	shalt  }
0x69: {  	_ =	shalt  }
0x6a: {  	_ =	shalt  }
0x6b: {  	_ =	shalt  }
0x6c: {  	_ =	shalt  }
0x6d: {  	_ =	shalt  }
0x6e: {  	_ =	shalt  }
0x6f: {  	_ =	shalt  }
0x70: {  	_ =	shalt  }
0x71: {  	_ =	shalt  }
0x72: {  	_ =	shalt  }
0x73: {  	_ =	shalt  }
0x74: {  	_ =	shalt  }
0x75: {  	_ =	shalt  }
0x76: {  	_ =	shalt  }
0x77: {  	_ =	shalt  }
0x78: {  	_ =	shalt  }
0x79: {  	_ =	shalt  }
0x7a: {  	_ =	shalt  }
0x7b: {  	_ =	shalt  }
0x7c: {  	_ =	shalt  }
0x7d: {  	_ =	shalt  }
0x7e: {  	_ =	shalt  }
0x7f: {  	_ =	shalt  }
0x80: {  	_ =	shalt  }
0x81: {  	_ =	shalt  }
0x82: {  	_ =	shalt  }
0x83: {  	_ =	shalt  }
0x84: {  	_ =	shalt  }
0x85: {  	_ =	shalt  }
0x86: {  	_ =	shalt  }
0x87: {  	_ =	shalt  }
.Lfunc_end0:
.L_simem_size_0:
called_computation.2_lowered:
.L_overlay_start_0:
0x88: {  	s2 =	sld [smem:$0x3FD9]  }
0x89: {  	s3 =	sld [smem:$0x3FFE];
	_ =	sdelay $0x1  }
0x8a: {  	s1 =	srdreg.scid  }
0x8b: {  	s0 =	sand.u32 $0x1, s1  }
0x8c: {  	s16 =	sshll.u32 s0, $0xA;
	s2 =	sadd.s32 s3, s2  }
0x8d: {  	s2 =	sadd.s32 s2, s16  }
0x8e: {  	[smem:$0x3FC2] =	sst s2  }
0x8f: {  	_ = 	snop  }
0x90: {  	(tm) =	ssettm $0x1  }
0x91: {  	s17 =	sld [smem:$0x3FFB];
	_ =	sdelay $0x3  }
0x92: {  	_ =	strace s17  }
0x93: {  	s2 =	sld [smem:$0x3FFC];
	_ =	sdelay $0x3  }
0x94: {  	_ =	strace s2  }
0x95: {  	s2 =	sld [smem:$0x3FFD];
	_ =	sdelay $0x3  }
0x96: {  	_ =	strace s2  }
0x97: {  	_ =	strace $0x8FFFFFFF  }
0x98: {  	s18 =	sld [smem:$0x3FDB];
	_ =	sdelay $0x1  }
0x99: {  	s19 =	simm.s32 $_scs_section_size  }
0x9a: {  	s4 =	simm.s32 $_size__tile_overlayer_lowered;
	s5 =	simm.s32 $_tile_overlayer_lowered  }
0x9b: {  	s22 =	simm.s32 $0x1BFF;
	s21 =	sshll.u32 s5, $0x1;
	s2 =	sadd.s32 s19, s18  }
0x9c: {  	s6 =	simm.s32 $0x0;
	s20 =	sshll.u32 s4, $0x1;
	s4 =	sadd.s32 s21, s2  }
0x9d: {  	[timem:s6], [sflag:s22] =	dma.local [hbm:s4], s20  }
0x9e: {  	_ =	swait.ge [sflag:s22], s20  }
0x9f: {  	s3 =	ssub.s32 $0x0, s20;
	[sflag:s22] =	ssyncset.done $0x0  }
0xa0: {  	[sflag:s22] =	ssyncadd.s32 s3;
	_ =	sdelay $0x1  }
0xa1: {  	s23 =	simm.s32 $0x1B8B  }
0xa2: {  	_ =	swait.ge [sflag:s23], $0x1  }
0xa3: {  	[sflag:s23] =	ssyncset.done $0x0  }
0xa4: {  	s25 =	simm.s32 $0x1B8E;
	s24 =	sld [smem:$0x3FFE];
	[sflag:s23] =	ssyncadd.s32 $0xFFFFFFFF  }
0xa5: {  	s26 =	simm.s32 $execute0_lowered;
	[smem:$0x3FD2] =	sst s25  }
0xa6: {  	s4 =	sshll.u32 s26, $0x1;
	_ =	strace $0x8000004C;
	[dreg:$0x1] =	wrdreg $0xFFFFFFFF  }
0xa7: {  	s28 =	simm.s32 $_size_execute0_lowered;
	s2 =	sadd.s32 s2, s4;
	[dreg:$0x0] =	wrdreg $0x0  }
0xa8: {  	s4 =	sshll.u32 s28, $0x1;
	[dreg:$0x2] =	wrdreg s2  }
0xa9: {  	[dreg:$0x3] =	wrdreg s4  }
0xaa: {  	[dreg:$0x4] =	wrdreg $0xC0  }
0xab: {  	_ =	task [dreg:s6], $0x5FFFF  }
0xac: {  	[dreg:$0x1] =	wrdreg $0xFFFFFFFF  }
0xad: {  	[dreg:$0x0] =	wrdreg $0x60  }
0xae: {  	[dreg:$0x2] =	wrdreg s24  }
0xaf: {  	[dreg:$0x3] =	wrdreg $0xDE000  }
0xb0: {  	[dreg:$0x4] =	wrdreg $0x9  }
0xb1: {  	_ =	task.clear_ibuf [dreg:s6], $0x5FFFF;
	_ =	strace $0x9000004C  }
0xb2: {  	s29 =	simm.s32 $0x9;
	_ =	strace $0x8000004E  }
0xb3: {  	_ =	swait.ge [sflag:s29], $0x1  }
0xb4: {  	[sflag:s29] =	ssyncadd.s32 $0xFFFFFFFF  }
0xb5: {  	_ =	strace $0x9000004E  }
0xb6: {  	_ =	sfence  }
0xb7: {  	s30 =	sld [smem:$0x0];
	_ =	sdelay $0x2  }
0xb8: {  	s31 =	sshll.u32 s1, $0xD;
	s1 =	sshrl.u32 s1, $0x2  }
0xb9: {  	s3 =	sand.u32 $0x4000, s31;
	s1 =	sadd.s32 s1, s30  }
0xba: {  	s0 =	sor.u32 s3, s0;
	s1 =	sshll.u32 s1, $0x11  }
0xbb: {  	s0 =	sor.u32 s1, s0  }
0xbc: {  	s0 =	sadd.s32 $0x8F2B, s0  }
0xbd: {  	[sflag:s0] =	ssyncadd.remote.s32 $0x1  }
0xbe: {  	_ =	sfence.sel $0xFFFF  }
0xbf: {  	[dreg:$0x0] =	wrdreg $0xFFFFFFFF;
	(pc) =	sbr.abs _section_cstart, $3  }
0xc0: {  	[dreg:$0x1] =	wrdreg $0xFFFFFFFF  }
0xc1: {  	_ =	task.clear_ibuf [dreg:s6], $0x2FFFF;
	_ =	strace $0x9FFFFFFF  }
0xc2: {  	(tm) =	ssettm $0x7FFFFFFF  }
0xc3: {  	_ =	shalt  }
tec
execute0_lowered:
.L_overlay_start_1:
0x0: {  	(tag) =	ssettag $0x1  }
0x1: {  	s4 =	rddreg [dreg:$0x0]  }
0x2: {  	s0 =	srdreg.scid;
	s2 =	rddreg [dreg:$0x1]  }
0x3: {  	s3 =	simm.s32 $0x0;
	s1 =	stileid.u32;
	s16 =	simm.s32 $0x3  }
0x4: {  	s18 =	simm.s32 $0x4F00;
	s19 =	simm.s32 $0x7680;
	s20 =	simm.s32 $0x9E00  }
0x5: {  	s21 =	simm.s32 $0x80;
	s22 =	simm.s32 $0xBE00;
	s23 =	simm.s32 $0x1  }
0x6: {  	s24 =	simm.s32 $0x2;
	s25 =	simm.s32 $0x4E80;
	s8 =	smul.u32 $0x9E00, s1  }
0x7: {  	s26 =	simm.s32 $0x9D00;
	s28 =	simm.s32 $0x9D80;
	s9 =	smul.u32 $0x4F00, s1  }
0x8: {  	s29 =	simm.s32 $0x0;
	s0 =	sand.u32 $0x1, s0;
	s10 =	smul.u32 $0x9E0, s1  }
0x9: {  	[smem:$0x7FF] =	sst s3;
	s30 =	sadd.s32 $0x5B400, s4;
	s12 =	smul.u32 $0x27800, s1  }
0xa: {  	s7 =	sadd.s32 $0x2600, s4;
	s5 =	smul.u32 $0x9E000, s0;
	s0 =	ssub.s32 $0x2, s0  }
0xb: {  	_ =	strace $0x8000004D;
	s11 =	sshrl.u32 s0, $0x1;
	s9 =	sshrl.u32 s9, $0x3  }
0xc: {  	s31 =	sshrl.u32 s12, $0x2;
	s6 =	sshrl.u32 s5, $0x3;
	s5 =	sadd.s32 s8, s5  }
0xd: {  	s0 =	ssub.s32 s0, s11;
	s9 =	sadd.s32 $0x4F0, s9;
	s12 =	sadd.s32 s31, s2  }
0xe: {  	s8 =	sadd.s32 s8, s2;
	s13 =	sadd.s32 s6, s4;
	s5 =	sshrl.u32 s5, $0x3  }
0xf: {  	s6 =	sadd.s32 s7, s10;
	s7 =	sadd.s32 s7, s9;
	s11 =	sadd.s32 $0x6000, s12  }
0x10: {  	s15 =	smax.u32 s0, $0x1;
	s14 =	sadd.s32 s5, s4;
	s4 =	sadd.s32 s30, s10  }
0x11: {  	s5 =	sadd.s32 s30, s9;
	s9 =	sadd.s32 $0x2000, s12;
	s10 =	sadd.s32 $0x4000, s12  }
0x12: {  	v0 =	vimm.f32 $0.0e+00;
	s12 =	sadd.s32 $0x8000, s12;
	s13 =	sadd.s32 $0x65200, s13;
	s14 =	sadd.s32 $0x8CA00, s14  }
.LBB2_1:
0x13: {  	[tilespmem:s3], [sflag:$0x3] =	stream.linear.gather [hbm4b:s4+s3], $0x2780, $0x38;
	[tilespmem:$0x17C00] =	vst v63  }
0x14: {  	_ =	swait.ge [sflag:s16], $0x2780  }
0x15: {  	[sflag:s16] =	ssyncset.done $0x0  }
0x16: {  	s0 =	simm.s32 $0x2780;
	[sflag:s16] =	ssyncadd.s32 $0xFFFFD880  }
0x17: {  	[tilespmem:s0], [sflag:$0x3] =	stream.linear.gather [hbm4b:s5+s3], $0x2780, $0x38;
	[tilespmem:$0x17C00] =	vst v63  }
0x18: {  	_ =	swait.ge [sflag:s16], $0x2780  }
0x19: {  	[sflag:s16] =	ssyncset.done $0x0  }
0x1a: {  	[sflag:s16] =	ssyncadd.s32 $0xFFFFD880  }
0x1b: {  	[tilespmem:s18], [sflag:$0x3] =	stream.linear.gather [hbm4b:s6+s3], $0x2780, $0x38;
	[tilespmem:$0x17C00] =	vst v63  }
0x1c: {  	_ =	swait.ge [sflag:s16], $0x2780  }
0x1d: {  	[sflag:s16] =	ssyncset.done $0x0  }
0x1e: {  	[sflag:s16] =	ssyncadd.s32 $0xFFFFD880  }
0x1f: {  	[tilespmem:s19], [sflag:$0x3] =	stream.linear.gather [hbm4b:s7+s3], $0x2780, $0x38;
	[tilespmem:$0x17C00] =	vst v63  }
0x20: {  	s17 =	sand.u32 $0x7F00, s3;
	s31 =	sand.u32 $0x30, s3;
	_ =	swait.ge [sflag:s16], $0x2780  }
0x21: {  	s30 =	simm.s32 $0x40;
	s0 =	sshrl.u32 s17, $0x2;
	[sflag:s16] =	ssyncset.done $0x0  }
0x22: {  	s0 =	sor.u32 s31, s0;
	s31 =	simm.s32 $0x0;
	[sflag:s16] =	ssyncadd.s32 $0xFFFFD880  }
.LBB2_2:
0x23: {  	p0 =	sne.s32 s30, $0x7FC0  }
0x24: {  	[tilespmem:s0+$0x9E00] =	vst v0;
	s31 =	sadd.s32 $0x10, s31;
	s0 =	smov.u32 s30;
	s30 =	sadd.s32 $0x40, s30  }
.Ltmp0:
0x25: {  	(pc) =	sbr.rel @p0 .LBB2_2-.Ltmp0, $4  }
0x26: {  	_ = 	snop  }
0x27: {  	s0 =	sand.u32 $0x7F00, s0  }
0x28: {  	s1 =	sand.u32 $0x30, s31;
	s0 =	sshrl.u32 s0, $0x2  }
0x29: {  	s0 =	sor.u32 s1, s0  }
0x2a: {  	[tilespmem:s0+$0x9E00] =	vst v0  }
0x2b: {  	[spmem:s8] =	stream.linear.scatter [tilespmem:s20], [sflag:$0x3], $0x2000, $0x38;
	[tilespmem:$0x17C00] =	vst v63  }
0x2c: {  	_ =	swait.ge [sflag:s16], $0x2000  }
0x2d: {  	[sflag:s16] =	ssyncset.done $0x0  }
0x2e: {  	[sflag:s16] =	ssyncadd.s32 $0xFFFFE000  }
0x2f: {  	[spmem:s9] =	stream.linear.scatter [tilespmem:s20], [sflag:$0x3], $0x2000, $0x38;
	[tilespmem:$0x17C00] =	vst v63  }
0x30: {  	_ =	swait.ge [sflag:s16], $0x2000  }
0x31: {  	[sflag:s16] =	ssyncset.done $0x0  }
0x32: {  	[sflag:s16] =	ssyncadd.s32 $0xFFFFE000  }
0x33: {  	[spmem:s10] =	stream.linear.scatter [tilespmem:s20], [sflag:$0x3], $0x2000, $0x38;
	[tilespmem:$0x17C00] =	vst v63  }
0x34: {  	_ =	swait.ge [sflag:s16], $0x2000  }
0x35: {  	[sflag:s16] =	ssyncset.done $0x0  }
0x36: {  	[sflag:s16] =	ssyncadd.s32 $0xFFFFE000  }
0x37: {  	[spmem:s11] =	stream.linear.scatter [tilespmem:s20], [sflag:$0x3], $0x2000, $0x38;
	[tilespmem:$0x17C00] =	vst v63  }
0x38: {  	_ =	swait.ge [sflag:s16], $0x2000  }
0x39: {  	[sflag:s16] =	ssyncset.done $0x0  }
0x3a: {  	[sflag:s16] =	ssyncadd.s32 $0xFFFFE000  }
0x3b: {  	[spmem:s12] =	stream.linear.scatter [tilespmem:s20], [sflag:$0x3], $0x1E00, $0x38;
	[tilespmem:$0x17C00] =	vst v63  }
0x3c: {  	_ =	swait.ge [sflag:s16], $0x1E00  }
0x3d: {  	[sflag:s16] =	ssyncset.done $0x0  }
0x3e: {  	[sflag:s16] =	ssyncadd.s32 $0xFFFFE200  }
0x3f: {  	s17 =	simm.s32 $0x0;
	[bflag:$0x0] =	sbarrier.arrive $0xFFFF  }
0x40: {  	[tilespmem:s20], [sflag:$0x1] =	stream.indirect.gather [hbm4b:s13+s21], $0x40, s17, s21, $0xb8;
	[tilespmem:$0x17C00] =	vst v63  }
0x41: {  	s1 =	simm.s32 $0x80  }
0x42: {  	[tilespmem:s22], [sflag:$0x2] =	stream.indirect.gather [hbm4b:s13+s21], $0x40, s1, s21, $0xb8;
	[tilespmem:$0x17C00] =	vst v63  }
0x43: {  	_ =	swait.ge [sflag:s23], $0x2000  }
0x44: {  	[sflag:s23] =	ssyncset.done $0x0  }
0x45: {  	s17 =	simm.s32 $0x4F00;
	[sflag:s23] =	ssyncadd.s32 $0xFFFFE000  }
0x46: {  	[spmem:s2] =	stream.indirect.scatter.add.f32 [tilespmem:s20], [sflag:$0x3], $0x40, s17, s21, $0xb8;
	[tilespmem:$0x17C00] =	vst v63  }
0x47: {  	_ =	swait.ge [sflag:s16], $0x2000  }
0x48: {  	[sflag:s16] =	ssyncset.done $0x0  }
0x49: {  	s1 =	simm.s32 $0x100;
	[sflag:s16] =	ssyncadd.s32 $0xFFFFE000  }
0x4a: {  	[tilespmem:s20], [sflag:$0x1] =	stream.indirect.gather [hbm4b:s13+s21], $0x40, s1, s21, $0xb8;
	[tilespmem:$0x17C00] =	vst v63  }
0x4b: {  	_ =	swait.ge [sflag:s24], $0x2000  }
0x4c: {  	[sflag:s24] =	ssyncset.done $0x0  }
0x4d: {  	s17 =	simm.s32 $0x4F80;
	[sflag:s24] =	ssyncadd.s32 $0xFFFFE000  }
0x4e: {  	[spmem:s2] =	stream.indirect.scatter.add.f32 [tilespmem:s22], [sflag:$0x3], $0x40, s17, s21, $0xb8;
	[tilespmem:$0x17C00] =	vst v63  }
0x4f: {  	_ =	swait.ge [sflag:s16], $0x2000  }
0x50: {  	s31 =	simm.s32 $0x800;
	s30 =	simm.s32 $0x100;
	[sflag:s16] =	ssyncset.done $0x0  }
.LBB2_4:
0x51: {  	s0 =	sadd.s32 $0x80, s30  }
0x52: {  	[sflag:s16] =	ssyncadd.s32 $0xFFFFE000;
	s1 =	smov.u32 s31;
	s17 =	sadd.s32 $0x400, s31  }
0x53: {  	[tilespmem:s22], [sflag:$0x2] =	stream.indirect.gather [hbm4b:s13+s21], $0x40, s0, s21, $0xb8;
	[tilespmem:$0x17C00] =	vst v63  }
0x54: {  	p0 =	sne.s32 s31, $0x13400;
	_ =	swait.ge [sflag:s23], $0x2000  }
0x55: {  	[sflag:s23] =	ssyncset.done $0x0  }
0x56: {  	s0 =	sadd.s32 $0x4F00, s30;
	[sflag:s23] =	ssyncadd.s32 $0xFFFFE000  }
0x57: {  	[spmem:s2] =	stream.indirect.scatter.add.f32 [tilespmem:s20], [sflag:$0x3], $0x40, s0, s21, $0xb8;
	[tilespmem:$0x17C00] =	vst v63  }
0x58: {  	_ =	swait.ge [sflag:s16], $0x2000  }
0x59: {  	[sflag:s16] =	ssyncset.done $0x0  }
0x5a: {  	s0 =	sadd.s32 $0x100, s30;
	[sflag:s16] =	ssyncadd.s32 $0xFFFFE000  }
0x5b: {  	[tilespmem:s20], [sflag:$0x1] =	stream.indirect.gather [hbm4b:s13+s21], $0x40, s0, s21, $0xb8;
	[tilespmem:$0x17C00] =	vst v63  }
0x5c: {  	_ =	swait.ge [sflag:s24], $0x2000  }
.Ltmp1:
0x5d: {  	[sflag:s24] =	ssyncset.done $0x0;
	(pc) =	sbr.rel @p0 .LBB2_4-.Ltmp1, $4  }
0x5e: {  	s0 =	sadd.s32 $0x4F80, s30;
	[sflag:s24] =	ssyncadd.s32 $0xFFFFE000  }
0x5f: {  	[spmem:s2] =	stream.indirect.scatter.add.f32 [tilespmem:s22], [sflag:$0x3], $0x40, s0, s21, $0xb8;
	[tilespmem:$0x17C00] =	vst v63  }
0x60: {  	_ =	swait.ge [sflag:s16], $0x2000  }
0x61: {  	s31 =	smov.u32 s17;
	s30 =	sshra.s32 s1, $0x2;
	[sflag:s16] =	ssyncset.done $0x0  }
0x62: {  	s0 =	sadd.s32 $0x80, s30;
	[sflag:s16] =	ssyncadd.s32 $0xFFFFE000  }
0x63: {  	[tilespmem:s22], [sflag:$0x2] =	stream.indirect.gather [hbm4b:s13+s21], $0x40, s0, s21, $0xb8;
	[tilespmem:$0x17C00] =	vst v63  }
0x64: {  	_ =	swait.ge [sflag:s23], $0x2000  }
0x65: {  	[sflag:s23] =	ssyncset.done $0x0  }
0x66: {  	s1 =	sadd.s32 $0x4F00, s30;
	[sflag:s23] =	ssyncadd.s32 $0xFFFFE000  }
0x67: {  	[spmem:s2] =	stream.indirect.scatter.add.f32 [tilespmem:s20], [sflag:$0x3], $0x40, s1, s21, $0xb8;
	[tilespmem:$0x17C00] =	vst v63  }
0x68: {  	_ =	swait.ge [sflag:s16], $0x2000  }
0x69: {  	[sflag:s16] =	ssyncset.done $0x0  }
0x6a: {  	s17 =	sadd.s32 $0x100, s30;
	[sflag:s16] =	ssyncadd.s32 $0xFFFFE000  }
0x6b: {  	[tilespmem:s20], [sflag:$0x1] =	stream.indirect.gather [hbm4b:s13+s21], $0x40, s17, s21, $0xb8;
	[tilespmem:$0x17C00] =	vst v63  }
0x6c: {  	_ =	swait.ge [sflag:s24], $0x2000  }
0x6d: {  	[sflag:s24] =	ssyncset.done $0x0  }
0x6e: {  	s30 =	sadd.s32 $0x4F80, s30;
	[sflag:s24] =	ssyncadd.s32 $0xFFFFE000  }
0x6f: {  	[spmem:s2] =	stream.indirect.scatter.add.f32 [tilespmem:s22], [sflag:$0x3], $0x40, s30, s21, $0xb8;
	[tilespmem:$0x17C00] =	vst v63  }
0x70: {  	_ =	swait.ge [sflag:s16], $0x2000  }
0x71: {  	[sflag:s16] =	ssyncset.done $0x0  }
0x72: {  	[sflag:s16] =	ssyncadd.s32 $0xFFFFE000  }
0x73: {  	[tilespmem:s22], [sflag:$0x2] =	stream.indirect.gather [hbm4b:s13+s21], $0x40, s25, s21, $0xb8;
	[tilespmem:$0x17C00] =	vst v63  }
0x74: {  	_ =	swait.ge [sflag:s23], $0x2000  }
0x75: {  	[sflag:s23] =	ssyncset.done $0x0  }
0x76: {  	[sflag:s23] =	ssyncadd.s32 $0xFFFFE000  }
0x77: {  	[spmem:s2] =	stream.indirect.scatter.add.f32 [tilespmem:s20], [sflag:$0x3], $0x40, s26, s21, $0xb8;
	[tilespmem:$0x17C00] =	vst v63  }
0x78: {  	_ =	swait.ge [sflag:s16], $0x2000  }
0x79: {  	[sflag:s16] =	ssyncset.done $0x0  }
0x7a: {  	[sflag:s16] =	ssyncadd.s32 $0xFFFFE000  }
0x7b: {  	_ =	swait.ge [sflag:s24], $0x2000  }
0x7c: {  	[sflag:s24] =	ssyncset.done $0x0  }
0x7d: {  	[sflag:s24] =	ssyncadd.s32 $0xFFFFE000  }
0x7e: {  	[spmem:s2] =	stream.indirect.scatter.add.f32 [tilespmem:s22], [sflag:$0x3], $0x40, s28, s21, $0xb8;
	[tilespmem:$0x17C00] =	vst v63  }
0x7f: {  	s31 =	stileid.u32;
	_ =	swait.ge [sflag:s16], $0x2000  }
0x80: {  	s29 =	sadd.s32 $0x1, s29;
	s0 =	sshll.u32 s31, $0x6;
	[sflag:s16] =	ssyncset.done $0x0  }
0x81: {  	p0 =	sne.s32 s29, s15;
	s0 =	sor.u32 $0x1C03, s0;
	[sflag:s16] =	ssyncadd.s32 $0xFFFFE000  }
.Ltmp2:
0x82: {  	s1 =	sshrl.u32 s8, $0x3;
	[bflag:$0x0] =	sbarrier.arrive $0xFFFF;
	(pc) =	sbr.rel @p0 .LBB2_1-.Ltmp2, $4  }
0x83: {  	[hbm:s14], [sflag:s0] =	dma.local [spmem:s1], $0x13C0  }
0x84: {  	_ =	swait.ge [sflag:s16], $0x13C0  }
0x85: {  	[sflag:s16] =	ssyncset.done $0x0  }
0x86: {  	[sflag:s16] =	ssyncadd.s32 $0xFFFFEC40  }
0x87: {  	_ =	sfence.sel $0x180000  }
0x88: {  	[bflag:$0x0] =	sbarrier.arrive $0xFFFF  }
0x89: {  	_ =	strace $0x9000004D  }
0x8a: {  	s0 =	stileid.u32;
	[bflag:$0x2] =	sbarrier.arrive $0xFFFF  }
0x8b: {  	p0 =	sne.s32 s0, $0x0;
	s0 =	rddreg [dreg:$0x2]  }
0x8c: {  	s0 =	sadd.s32 @!p0 $0x100000, s0  }
0x8d: {  	[sflag:s0] =	ssyncadd.tile.s32 @!p0 $0x1;
	_ =	shalt  }
.Lfunc_end2:
_tile_overlayer_lowered:
.L_overlay_start_2:
0x8e: {  	(tag) =	ssettag $0x2  }
0x8f: {  	s0 =	rddreg [dreg:$0x0];
	s2 =	stileid.u32  }
0x90: {  	s1 =	rddreg [dreg:$0x1];
	p0 =	sne.s32 s2, $0x0  }
0x91: {  	s3 =	rddreg [dreg:$0x2];
	[bflag:$0x3] =	sbarrier.arrive $0xFFFF;
	s2 =	simm.s32 @!p0 $0x1C03  }
0x92: {  	[timem:s3], [sflag:s2] =	dma.local @!p0 [hbm:s0], s1  }
0x93: {  	s0 =	simm.s32 @!p0 $0x3  }
0x94: {  	_ =	swait.ge @!p0 [sflag:s0], s1  }
0x95: {  	s1 =	ssub.s32 @!p0 $0x0, s1;
	[sflag:s0] =	ssyncset.done @!p0 $0x0  }
0x96: {  	[sflag:s0] =	ssyncadd.s32 @!p0 s1  }
0x97: {  	[bflag:$0x3] =	sbarrier.arrive $0xFFFF  }
0x98: {  	_ =	shalt  }

// kernel: _kernel_impl.8.cloned.1.call-start
scs
__scs_entry_jumppad:
0x0: {  	(pc) =	sbr.rel $0x88, $3  }
0x1: {  	(tag) =	ssettag $0x0;
	lr =	simm.s32 $0x1  }
0x2: {  	[smem:$0x3F9B] =	sst lr;
	_ =	strace $0xD0000000  }
0x3: {  	_ = 	snop  }
0x4: {  	_ = 	snop  }
0x5: {  	_ = 	snop  }
0x6: {  	_ = 	snop  }
0x7: {  	_ = 	snop  }
__scs_overlays_trampoline_lowered:
0x8: {  	[smem:$0x3FAA] =	sst s0  }
0x9: {  	[smem:$0x3FAB] =	sst s1  }
0xa: {  	[smem:$0x3FAC] =	sst s2  }
0xb: {  	[smem:$0x3FAD] =	sst s3  }
0xc: {  	[smem:$0x3FAE] =	sst s4  }
0xd: {  	[smem:$0x3FAF] =	sst s5  }
0xe: {  	[smem:$0x3FB0] =	sst s6  }
0xf: {  	[smem:$0x3FB1] =	sst s7  }
0x10: {  	[smem:$0x3FB2] =	sst s8  }
0x11: {  	[smem:$0x3FB3] =	sst s9;
	s0 =	simm.s32 @!p0 $0x0  }
0x12: {  	s1 =	sld [smem:$0x3F99];
	s0 =	simm.s32 @p0 $0x1  }
0x13: {  	[smem:$0x3FB4] =	sst s0;
	s0 =	simm.s32 @!p1 $0x0  }
0x14: {  	s2 =	sld [smem:$0x3F98];
	s0 =	simm.s32 @p1 $0x1  }
0x15: {  	[smem:$0x3FB5] =	sst s0;
	s0 =	simm.s32 @!p2 $0x0  }
0x16: {  	s3 =	sld [smem:$0x3FDB];
	s0 =	simm.s32 @p2 $0x1  }
0x17: {  	s4 =	simm.s32 $0x1BF5;
	[smem:$0x3FB7] =	sst s0  }
0x18: {  	s0 =	sld [smem:$0x3F9A];
	_ =	swait.ge [sflag:s4], $0x0  }
0x19: {  	s7 =	sld [smem:$0x3F9B]  }
0x1a: {  	s8 =	sadd.s32 $0xFFFFE003, lr  }
0x1b: {  	s9 =	sadd.s32 $0xFFFFFEF7, lr;
	s5 =	simm.s32 $0xFFFFFFFF;
	p2 =	slt.u32 s8, $0xFFFFF086  }
0x1c: {  	p1 =	slt.u32 s9, $0xF7A;
	s5 =	simm.s32 @!p2 $0x0  }
0x1d: {  	s5 =	simm.s32 @p1 $0x1;
	p0 =	seq.s32 s7, s2  }
0x1e: {  	s7 =	smul.u32 @!p0 $0xF7A, s2;
	p2 =	seq.s32 @!p0 s5, $0x0  }
0x1f: {  	s9 =	smul.u32 $0xF7A, s1;
	s8 =	simm.s32 @!p0 $0x1BF5;
	p2 =	por !p2, p0  }
0x20: {  	[sflag:s8] =	ssyncset.s32 @!p0 $0xFFFFF086;
	s6 =	sadd.s32 @!p0 s3, s7;
	s7 =	simm.s32 @!p0 $0x108  }
0x21: {  	s3 =	sadd.s32 s3, s9;
	s6 =	sadd.s32 @!p0 $0x88, s6;
	s7 =	simm.s32 @p2 $0x1082  }
0x22: {  	[simem:s7], [sflag:s8] =	dma.local @!p0 [hbm:s6], $0xF7A  }
0x23: {  	s9 =	sor.u32 $0xD0000000, s2;
	s6 =	simm.s32 $0x108;
	_ =	swait.ge @!p0 [sflag:s8], $0x0  }
0x24: {  	s3 =	sadd.s32 $0x88, s3;
	s6 =	simm.s32 @!p1 $0x1082;
	[sflag:s4] =	ssyncset.s32 $0xFFFFF086  }
0x25: {  	[simem:s6], [sflag:s4] =	dma.local [hbm:s3], $0xF7A  }
0x26: {  	[smem:$0x3F9B] =	sst s1;
	(tag) =	ssettag s2;
	_ =	strace s9  }
0x27: {  	s1 =	sld [smem:$0x3FAB]  }
0x28: {  	s2 =	sld [smem:$0x3FAC]  }
0x29: {  	s4 =	sld [smem:$0x3FAE]  }
0x2a: {  	p0 =	seq.s32 s5, $0x0;
	s5 =	sld [smem:$0x3FAF]  }
0x2b: {  	s6 =	sld [smem:$0x3FB0]  }
0x2c: {  	s7 =	sld [smem:$0x3FB1]  }
0x2d: {  	s3 =	simm.s32 $0x108;
	s8 =	sld [smem:$0x3FB2]  }
0x2e: {  	s3 =	simm.s32 @!p0 $0x1082;
	s9 =	sld [smem:$0x3FB3]  }
0x2f: {  	lr =	sadd.s32 s0, s3;
	s0 =	sld [smem:$0x3FAA]  }
0x30: {  	s3 =	sld [smem:$0x3FAD]  }
0x31: {  	[smem:$0x3FB6] =	sst s10  }
0x32: {  	s10 =	sld [smem:$0x3FB4];
	_ =	sdelay $0x3  }
0x33: {  	p0 =	seq.s32 s10, $0x1;
	s10 =	sld [smem:$0x3FB6];
	_ =	sdelay $0x3  }
0x34: {  	[smem:$0x3FB6] =	sst s10  }
0x35: {  	s10 =	sld [smem:$0x3FB5];
	_ =	sdelay $0x3  }
0x36: {  	p1 =	seq.s32 s10, $0x1;
	s10 =	sld [smem:$0x3FB6];
	_ =	sdelay $0x3  }
0x37: {  	[smem:$0x3FB6] =	sst s10  }
0x38: {  	s10 =	sld [smem:$0x3FB7]  }
0x39: {  	_ = 	snop;
	(pc) =	sbr.ind lr, $3  }
0x3a: {  	_ = 	snop  }
0x3b: {  	_ = 	snop  }
0x3c: {  	p2 =	seq.s32 s10, $0x1;
	s10 =	sld [smem:$0x3FB6]  }
0x3d: {  	_ =	shalt  }
0x3e: {  	_ =	shalt  }
0x3f: {  	_ =	shalt  }
0x40: {  	_ =	shalt  }
0x41: {  	_ =	shalt  }
0x42: {  	_ =	shalt  }
0x43: {  	_ =	shalt  }
0x44: {  	_ =	shalt  }
0x45: {  	_ =	shalt  }
0x46: {  	_ =	shalt  }
0x47: {  	_ =	shalt  }
0x48: {  	_ =	shalt  }
0x49: {  	_ =	shalt  }
0x4a: {  	_ =	shalt  }
0x4b: {  	_ =	shalt  }
0x4c: {  	_ =	shalt  }
0x4d: {  	_ =	shalt  }
0x4e: {  	_ =	shalt  }
0x4f: {  	_ =	shalt  }
0x50: {  	_ =	shalt  }
0x51: {  	_ =	shalt  }
0x52: {  	_ =	shalt  }
0x53: {  	_ =	shalt  }
0x54: {  	_ =	shalt  }
0x55: {  	_ =	shalt  }
0x56: {  	_ =	shalt  }
0x57: {  	_ =	shalt  }
0x58: {  	_ =	shalt  }
0x59: {  	_ =	shalt  }
0x5a: {  	_ =	shalt  }
0x5b: {  	_ =	shalt  }
0x5c: {  	_ =	shalt  }
0x5d: {  	_ =	shalt  }
0x5e: {  	_ =	shalt  }
0x5f: {  	_ =	shalt  }
0x60: {  	_ =	shalt  }
0x61: {  	_ =	shalt  }
0x62: {  	_ =	shalt  }
0x63: {  	_ =	shalt  }
0x64: {  	_ =	shalt  }
0x65: {  	_ =	shalt  }
0x66: {  	_ =	shalt  }
0x67: {  	_ =	shalt  }
0x68: {  	_ =	shalt  }
0x69: {  	_ =	shalt  }
0x6a: {  	_ =	shalt  }
0x6b: {  	_ =	shalt  }
0x6c: {  	_ =	shalt  }
0x6d: {  	_ =	shalt  }
0x6e: {  	_ =	shalt  }
0x6f: {  	_ =	shalt  }
0x70: {  	_ =	shalt  }
0x71: {  	_ =	shalt  }
0x72: {  	_ =	shalt  }
0x73: {  	_ =	shalt  }
0x74: {  	_ =	shalt  }
0x75: {  	_ =	shalt  }
0x76: {  	_ =	shalt  }
0x77: {  	_ =	shalt  }
0x78: {  	_ =	shalt  }
0x79: {  	_ =	shalt  }
0x7a: {  	_ =	shalt  }
0x7b: {  	_ =	shalt  }
0x7c: {  	_ =	shalt  }
0x7d: {  	_ =	shalt  }
0x7e: {  	_ =	shalt  }
0x7f: {  	_ =	shalt  }
0x80: {  	_ =	shalt  }
0x81: {  	_ =	shalt  }
0x82: {  	_ =	shalt  }
0x83: {  	_ =	shalt  }
0x84: {  	_ =	shalt  }
0x85: {  	_ =	shalt  }
0x86: {  	_ =	shalt  }
0x87: {  	_ =	shalt  }
.Lfunc_end0:
.L_simem_size_0:
called_computation_lowered:
.L_overlay_start_0:
0x88: {  	s2 =	sld [smem:$0x3FD9]  }
0x89: {  	s3 =	sld [smem:$0x3FFE];
	_ =	sdelay $0x1  }
0x8a: {  	s1 =	srdreg.scid  }
0x8b: {  	s0 =	sand.u32 $0x1, s1  }
0x8c: {  	s17 =	sshll.u32 s0, $0xA;
	s2 =	sadd.s32 s3, s2  }
0x8d: {  	s2 =	sadd.s32 s2, s17  }
0x8e: {  	[smem:$0x3FC2] =	sst s2  }
0x8f: {  	_ = 	snop  }
0x90: {  	s2 =	sld [smem:$0x3FD0];
	(tm) =	ssettm $0x1  }
0x91: {  	s18 =	sld [smem:$0x3FFB];
	_ =	sdelay $0x3  }
0x92: {  	_ =	strace s18  }
0x93: {  	s3 =	sld [smem:$0x3FFC];
	_ =	sdelay $0x3  }
0x94: {  	_ =	strace s3  }
0x95: {  	s3 =	sld [smem:$0x3FFD];
	_ =	sdelay $0x3  }
0x96: {  	_ =	strace s3  }
0x97: {  	_ =	strace $0x8FFFFFFF  }
0x98: {  	s19 =	sld [smem:$0x3FDB];
	_ =	sdelay $0x1  }
0x99: {  	s4 =	simm.s32 $_scs_section_size  }
0x9a: {  	s5 =	simm.s32 $_size__tile_overlayer_lowered;
	s6 =	simm.s32 $_tile_overlayer_lowered  }
0x9b: {  	s22 =	simm.s32 $0x1BFF;
	s21 =	sshll.u32 s6, $0x1;
	s3 =	sadd.s32 s4, s19  }
0x9c: {  	s7 =	simm.s32 $0x0;
	s20 =	sshll.u32 s5, $0x1;
	s5 =	sadd.s32 s21, s3  }
0x9d: {  	[timem:s7], [sflag:s22] =	dma.local [hbm:s5], s20  }
0x9e: {  	_ =	swait.ge [sflag:s22], s20  }
0x9f: {  	s4 =	ssub.s32 $0x0, s20;
	[sflag:s22] =	ssyncset.done $0x0  }
0xa0: {  	[sflag:s22] =	ssyncadd.s32 s4;
	_ =	sdelay $0x1  }
0xa1: {  	s23 =	simm.s32 $0x1B8B  }
0xa2: {  	_ =	swait.ge [sflag:s23], $0x1  }
0xa3: {  	[sflag:s23] =	ssyncset.done $0x0  }
0xa4: {  	s25 =	simm.s32 $0x1B8E;
	s24 =	sld [smem:$0x3FFE];
	[sflag:s23] =	ssyncadd.s32 $0xFFFFFFFF  }
0xa5: {  	s26 =	simm.s32 $execute0_lowered;
	[smem:$0x3FD2] =	sst s25  }
0xa6: {  	s5 =	sshll.u32 s26, $0x1;
	_ =	strace $0x80000046;
	[dreg:$0x1] =	wrdreg $0xFFFFFFFF  }
0xa7: {  	s28 =	simm.s32 $_size_execute0_lowered;
	s3 =	sadd.s32 s3, s5;
	[dreg:$0x0] =	wrdreg $0x0  }
0xa8: {  	s5 =	sshll.u32 s28, $0x1;
	[dreg:$0x2] =	wrdreg s3  }
0xa9: {  	[dreg:$0x3] =	wrdreg s5  }
0xaa: {  	[dreg:$0x4] =	wrdreg $0xC0  }
0xab: {  	_ =	task [dreg:s7], $0x5FFFF  }
0xac: {  	[dreg:$0x1] =	wrdreg $0xFFFFFFFF  }
0xad: {  	[dreg:$0x0] =	wrdreg $0x60  }
0xae: {  	[dreg:$0x2] =	wrdreg s2  }
0xaf: {  	[dreg:$0x3] =	wrdreg s24  }
0xb0: {  	[dreg:$0x4] =	wrdreg $0x68000  }
0xb1: {  	[dreg:$0x5] =	wrdreg $0x9  }
0xb2: {  	_ =	task.clear_ibuf [dreg:s7], $0x6FFFF;
	_ =	strace $0x90000046  }
0xb3: {  	s29 =	simm.s32 $0x9;
	_ =	strace $0x80000048  }
0xb4: {  	_ =	swait.ge [sflag:s29], $0x1  }
0xb5: {  	[sflag:s29] =	ssyncadd.s32 $0xFFFFFFFF  }
0xb6: {  	_ =	strace $0x90000048  }
0xb7: {  	_ =	sfence  }
0xb8: {  	s30 =	sld [smem:$0x0];
	_ =	sdelay $0x2  }
0xb9: {  	s31 =	sshll.u32 s1, $0xD;
	s1 =	sshrl.u32 s1, $0x2  }
0xba: {  	s3 =	sand.u32 $0x4000, s31;
	s1 =	sadd.s32 s1, s30  }
0xbb: {  	s0 =	sor.u32 s3, s0;
	s1 =	sshll.u32 s1, $0x11  }
0xbc: {  	s0 =	sor.u32 s1, s0  }
0xbd: {  	s0 =	sadd.s32 $0x8F2B, s0  }
0xbe: {  	[sflag:s0] =	ssyncadd.remote.s32 $0x1  }
0xbf: {  	_ =	sfence.sel $0xFFFF  }
0xc0: {  	[dreg:$0x0] =	wrdreg $0xFFFFFFFF;
	(pc) =	sbr.abs _section_cstart, $3  }
0xc1: {  	[dreg:$0x1] =	wrdreg $0xFFFFFFFF  }
0xc2: {  	_ =	task.clear_ibuf [dreg:s7], $0x2FFFF;
	_ =	strace $0x9FFFFFFF  }
0xc3: {  	(tm) =	ssettm $0x7FFFFFFF  }
tec
execute0_lowered:
.L_overlay_start_1:
0x0: {  	(tag) =	ssettag $0x1  }
0x1: {  	s5 =	rddreg [dreg:$0x0]  }
0x2: {  	s4 =	rddreg [dreg:$0x1];
	s0 =	srdreg.scid  }
0x3: {  	s2 =	rddreg [dreg:$0x2];
	s1 =	stileid.u32  }
0x4: {  	s3 =	simm.s32 $0x0;
	s12 =	simm.s32 $0x1;
	s13 =	simm.s32 $0x2800  }
0x5: {  	s14 =	simm.s32 $0x80;
	s17 =	simm.s32 $0x0;
	s8 =	smul.u32 $0x13C00, s1  }
0x6: {  	s6 =	sand.u32 $0x1, s0;
	s0 =	rddreg [dreg:$0x3];
	s9 =	smul.u32 $0x4F000, s1  }
0x7: {  	[smem:$0x7FF] =	sst s3;
	s15 =	sshll.u32 s1, $0x6;
	s7 =	smul.u32 $0x13C000, s6  }
0x8: {  	s30 =	sshll.u32 s6, $0x4;
	_ =	strace $0x80000047;
	s6 =	ssub.s32 $0x2, s6  }
0x9: {  	s31 =	sshrl.u32 s6, $0x1;
	s7 =	sadd.s32 s8, s7;
	s8 =	sor.u32 s1, s30  }
0xa: {  	s15 =	sor.u32 $0x1C01, s15;
	s11 =	ssub.s32 s6, s31;
	s8 =	smul.u32 $0x500, s8  }
0xb: {  	s9 =	sshrl.u32 s9, $0x2;
	s7 =	sshrl.u32 s7, $0x3;
	s11 =	smax.u32 s11, $0x1  }
0xc: {  	s10 =	sadd.s32 s7, s4;
	s4 =	sadd.s32 s9, s2;
	s5 =	sadd.s32 s5, s8  }
0xd: {  	s6 =	sadd.s32 $0x4000, s4;
	s7 =	sadd.s32 $0x8000, s4;
	s8 =	sadd.s32 $0xC000, s4  }
0xe: {  	v0 =	vimm.f32 $0.0e+00;
	v1 =	vimm.f32 $1.000000000e+00;
	s9 =	sadd.s32 $0x10000, s4;
	s10 =	sadd.s32 $0xC400, s10;
	s16 =	sshrl.u32 s4, $0x3  }
.LBB2_1:
0xf: {  	[tilespmem:s3], [sflag:$0x1] =	stream.linear.gather [hbm4b:s5+s3], $0x2780, $0x38;
	[tilespmem:$0x8F80] =	vst v63  }
0x10: {  	_ =	swait.ge [sflag:s12], $0x2780  }
0x11: {  	[sflag:s12] =	ssyncset.done $0x0  }
0x12: {  	s18 =	simm.s32 $0x200;
	s19 =	simm.s32 $0x0;
	[sflag:s12] =	ssyncadd.s32 $0xFFFFD880  }
.LBB2_2:
0x13: {  	p0 =	sne.s32 s18, $0xFE00;
	[tilespmem:s19+$0x2800] =	vst v0;
	s19 =	smov.u32 s18;
	s18 =	sadd.s32 $0x200, s18  }
.Ltmp0:
0x14: {  	(pc) =	sbr.rel @p0 .LBB2_2-.Ltmp0, $2  }
0x15: {  	_ =	sdelay $0x2  }
0x16: {  	s19 =	sshra.s32 s19, $0x2  }
0x17: {  	[tilespmem:s19+$0x2800] =	vst v0  }
0x18: {  	[spmem:s4] =	stream.linear.scatter [tilespmem:s13], [sflag:$0x1], $0x4000, $0x38;
	[tilespmem:$0x8F80] =	vst v63  }
0x19: {  	_ =	swait.ge [sflag:s12], $0x4000  }
0x1a: {  	[sflag:s12] =	ssyncset.done $0x0  }
0x1b: {  	[sflag:s12] =	ssyncadd.s32 $0xFFFFC000  }
0x1c: {  	[spmem:s6] =	stream.linear.scatter [tilespmem:s13], [sflag:$0x1], $0x4000, $0x38;
	[tilespmem:$0x8F80] =	vst v63  }
0x1d: {  	_ =	swait.ge [sflag:s12], $0x4000  }
0x1e: {  	[sflag:s12] =	ssyncset.done $0x0  }
0x1f: {  	[sflag:s12] =	ssyncadd.s32 $0xFFFFC000  }
0x20: {  	[spmem:s7] =	stream.linear.scatter [tilespmem:s13], [sflag:$0x1], $0x4000, $0x38;
	[tilespmem:$0x8F80] =	vst v63  }
0x21: {  	_ =	swait.ge [sflag:s12], $0x4000  }
0x22: {  	[sflag:s12] =	ssyncset.done $0x0  }
0x23: {  	[sflag:s12] =	ssyncadd.s32 $0xFFFFC000  }
0x24: {  	[spmem:s8] =	stream.linear.scatter [tilespmem:s13], [sflag:$0x1], $0x4000, $0x38;
	[tilespmem:$0x8F80] =	vst v63  }
0x25: {  	_ =	swait.ge [sflag:s12], $0x4000  }
0x26: {  	[sflag:s12] =	ssyncset.done $0x0  }
0x27: {  	[sflag:s12] =	ssyncadd.s32 $0xFFFFC000  }
0x28: {  	[spmem:s9] =	stream.linear.scatter [tilespmem:s13], [sflag:$0x1], $0x3C00, $0x38;
	[tilespmem:$0x8F80] =	vst v63  }
0x29: {  	_ =	swait.ge [sflag:s12], $0x3C00  }
0x2a: {  	[sflag:s12] =	ssyncset.done $0x0  }
0x2b: {  	s18 =	simm.s32 $0x200;
	s19 =	simm.s32 $0x0;
	[sflag:s12] =	ssyncadd.s32 $0xFFFFC400  }
.LBB2_4:
0x2c: {  	p0 =	sne.s32 s18, $0xFE00;
	[tilespmem:s19+$0x2800] =	vst v1;
	s19 =	smov.u32 s18;
	s18 =	sadd.s32 $0x200, s18  }
.Ltmp1:
0x2d: {  	(pc) =	sbr.rel @p0 .LBB2_4-.Ltmp1, $2  }
0x2e: {  	_ =	sdelay $0x2  }
0x2f: {  	s19 =	sshra.s32 s19, $0x2  }
0x30: {  	[tilespmem:s19+$0x2800] =	vst v1  }
0x31: {  	s18 =	simm.s32 $0x0;
	[bflag:$0x0] =	sbarrier.arrive $0xFFFF  }
0x32: {  	[spmem:s2] =	stream.indirect.scatter.add.f32 [tilespmem:s13], [sflag:$0x1], $0x10, s18, s14, $0xb8;
	[tilespmem:$0x8F80] =	vst v63  }
0x33: {  	_ =	swait.ge [sflag:s12], $0x800  }
0x34: {  	s18 =	simm.s32 $0x200;
	[sflag:s12] =	ssyncset.done $0x0  }
.LBB2_6:
0x35: {  	s19 =	sshra.s32 s18, $0x2;
	[sflag:s12] =	ssyncadd.s32 $0xFFFFF800;
	p0 =	sne.s32 s18, $0x9C00  }
0x36: {  	[spmem:s2] =	stream.indirect.scatter.add.f32 [tilespmem:s13], [sflag:$0x1], $0x10, s19, s14, $0xb8;
	[tilespmem:$0x8F80] =	vst v63  }
.Ltmp2:
0x37: {  	_ = 	snop;
	(pc) =	sbr.rel @p0 .LBB2_6-.Ltmp2, $4  }
0x38: {  	_ = 	snop  }
0x39: {  	s18 =	sadd.s32 $0x200, s18  }
0x3a: {  	_ =	swait.ge [sflag:s12], $0x800  }
0x3b: {  	[sflag:s12] =	ssyncset.done $0x0  }
0x3c: {  	s17 =	sadd.s32 $0x1, s17  }
0x3d: {  	[sflag:s12] =	ssyncadd.s32 $0xFFFFF800;
	p0 =	sne.s32 s17, s11  }
.Ltmp3:
0x3e: {  	[bflag:$0x0] =	sbarrier.arrive $0xFFFF;
	(pc) =	sbr.rel @p0 .LBB2_1-.Ltmp3, $4  }
0x3f: {  	[hbm:s10], [sflag:s15] =	dma.local [spmem:s16], $0x2780  }
0x40: {  	_ =	swait.ge [sflag:s12], $0x2780  }
0x41: {  	[sflag:s12] =	ssyncset.done $0x0  }
0x42: {  	[sflag:s12] =	ssyncadd.s32 $0xFFFFD880  }
0x43: {  	_ =	sfence.sel $0x180000  }
0x44: {  	[bflag:$0x0] =	sbarrier.arrive $0xFFFF  }
0x45: {  	p0 =	sne.s32 s1, $0x0;
	_ =	strace $0x90000047  }
0x46: {  	s0 =	sadd.s32 @!p0 $0x100000, s0;
	[bflag:$0x2] =	sbarrier.arrive $0xFFFF  }
0x47: {  	[sflag:s0] =	ssyncadd.tile.s32 @!p0 $0x1;
	_ =	shalt  }
.Lfunc_end2:
_tile_overlayer_lowered:
.L_overlay_start_2:
0x48: {  	(tag) =	ssettag $0x2  }
0x49: {  	s0 =	rddreg [dreg:$0x0];
	s2 =	stileid.u32  }
0x4a: {  	s1 =	rddreg [dreg:$0x1];
	p0 =	sne.s32 s2, $0x0  }
0x4b: {  	s3 =	rddreg [dreg:$0x2];
	[bflag:$0x3] =	sbarrier.arrive $0xFFFF;
	s2 =	simm.s32 @!p0 $0x1C01  }
0x4c: {  	[timem:s3], [sflag:s2] =	dma.local @!p0 [hbm:s0], s1  }
0x4d: {  	s0 =	simm.s32 @!p0 $0x1  }
0x4e: {  	_ =	swait.ge @!p0 [sflag:s0], s1  }
0x4f: {  	s1 =	ssub.s32 @!p0 $0x0, s1;
	[sflag:s0] =	ssyncset.done @!p0 $0x0  }
0x50: {  	[sflag:s0] =	ssyncadd.s32 @!p0 s1  }
0x51: {  	[bflag:$0x3] =	sbarrier.arrive $0xFFFF  }
0x52: {  	_ =	shalt  }

</sc_bundles>
